<compile_context>
chip_gen: v7x
topology: tpu7x:2x2x1
jax: 0.10.2.dev20260603
libtpu: 0.0.44.dev20260713+nightly
codegen_flags: <defaults>
</compile_context>

<pallas_src>
import jax
import jax.numpy as jnp
from jax import lax
from jax.experimental import pallas as pl
from jax.experimental.pallas import tpu as pltpu
from jax.experimental.pallas import tpu_sc as plsc

NUM_ITEMS = 1000000
EMBED_DIM = 32
BATCH = 16384

NC, NS = 2, 16
NW = NC * NS
B_PER_W = BATCH // NW
WAVE = 2
N_WAVES = B_PER_W // WAVE
NSETS = 4
MAX_PANEL = 7812

_mesh = plsc.VectorSubcoreMesh(
    core_axis_name="c", subcore_axis_name="s", num_cores=NC, num_subcores=NS)


def _fire(tableT_hbm, idx_v, bt, bc, sem, w):
    vt = idx_v[0, pl.ds(w * WAVE, 16)]
    vc = idx_v[1, pl.ds(w * WAVE, 16)]
    pt = 128 * jnp.minimum(lax.shift_right_logical(vt, 7), MAX_PANEL)
    pc = 128 * jnp.minimum(lax.shift_right_logical(vc, 7), MAX_PANEL)
    for k in range(WAVE):
        ot = pl.multiple_of(pt[k], 128)
        oc = pl.multiple_of(pc[k], 128)
        pltpu.make_async_copy(
            tableT_hbm.at[:, pl.ds(ot, 128)],
            bt.at[:, pl.ds(128 * k, 128)], sem).start()
        pltpu.make_async_copy(
            tableT_hbm.at[:, pl.ds(oc, 128)],
            bc.at[:, pl.ds(128 * k, 128)], sem).start()


def _body(tableT_hbm, idx_hbm, out_hbm, idx_v,
          bt0, bc0, bt1, bc1, bt2, bc2, bt3, bc3, out_v,
          sem0, sem1, sem2, sem3):
    wid = lax.axis_index("s") * NC + lax.axis_index("c")
    pltpu.sync_copy(idx_hbm.at[wid], idx_v.at[:, pl.ds(0, B_PER_W)])

    lane = lax.iota(jnp.int32, 16)
    bufs = ((bt0, bc0, sem0), (bt1, bc1, sem1),
            (bt2, bc2, sem2), (bt3, bc3, sem3))

    for i in range(NSETS - 1):
        _fire(tableT_hbm, idx_v, bufs[i][0], bufs[i][1], bufs[i][2], i)

    def wave(w, carry):
        wp = w & (NSETS - 1)
        for p in range(NSETS):

            @pl.when(wp == p)
            def _():
                btp, bcp, semp = bufs[p]
                btn, bcn, semn = bufs[(p + NSETS - 1) % NSETS]

                @pl.when(w < N_WAVES - (NSETS - 1))
                def _():
                    _fire(tableT_hbm, idx_v, btn, bcn, semn, w + NSETS - 1)

                pltpu.make_async_copy(
                    tableT_hbm.at[:, pl.ds(0, 128 * WAVE)], btp, semp).wait()
                pltpu.make_async_copy(
                    tableT_hbm.at[:, pl.ds(0, 128 * WAVE)], bcp, semp).wait()

                vt = idx_v[0, pl.ds(w * WAVE, 16)]
                vc = idx_v[1, pl.ds(w * WAVE, 16)]
                lt = vt & 127
                lc = vc & 127
                acc = out_v[pl.ds((w >> 3) * 16, 16)]
                for k in range(WAVE):
                    lts = jnp.full((16,), lt[k], jnp.int32) + 128 * k
                    lcs = jnp.full((16,), lc[k], jnp.int32) + 128 * k
                    tlo = plsc.load_gather(btp, [lane, lts])
                    thi = plsc.load_gather(btp, [16 + lane, lts])
                    clo = plsc.load_gather(bcp, [lane, lcs])
                    chi = plsc.load_gather(bcp, [16 + lane, lcs])
                    dot = jnp.sum(tlo * clo + thi * chi)
                    slot = (w & 7) * WAVE + k
                    acc = jnp.where(lane == slot, dot, acc)
                out_v[pl.ds((w >> 3) * 16, 16)] = acc

                @pl.when((w & 7) == 7)
                def _():
                    out_v[pl.ds((w >> 3) * 16, 16)] = (
                        1.0 / (1.0 + jnp.exp(-acc)))

        return carry

    lax.fori_loop(0, N_WAVES, wave, 0)
    pltpu.sync_copy(out_v, out_hbm.at[pl.ds(wid * B_PER_W, B_PER_W)])


_panel = pltpu.VMEM((EMBED_DIM, 128 * WAVE), jnp.float32)

_k = pl.kernel(
    _body,
    out_type=jax.ShapeDtypeStruct((BATCH,), jnp.float32),
    mesh=_mesh,
    scratch_types=[
        pltpu.VMEM((2, B_PER_W + 32), jnp.int32),
        _panel, _panel,
        _panel, _panel,
        _panel, _panel,
        _panel, _panel,
        pltpu.VMEM((B_PER_W,), jnp.float32),
        pltpu.SemaphoreType.DMA,
        pltpu.SemaphoreType.DMA,
        pltpu.SemaphoreType.DMA,
        pltpu.SemaphoreType.DMA,
    ],
    compiler_params=pltpu.CompilerParams(
        needs_layout_passes=False, use_tc_tiling_on_sc=True),
)


def kernel(target_items, context_items, embedding_table):
    t = target_items.astype(jnp.int32).reshape(NW, 1, B_PER_W)
    c = context_items.astype(jnp.int32).reshape(NW, 1, B_PER_W)
    idx = jnp.concatenate([t, c], axis=1)
    tT = embedding_table.T
    return _k(tT, idx)

# --- scband reference (transcript-rebuilt; emitter-appended) ---
"""Pipeline reference for scband-skip-gram-2765958939298 (READ-ONLY COPY).

The authoritative reference and input builder live on the scoring server;
editing this copy changes nothing except your own understanding.
"""

import jax, jax.numpy as jnp
import numpy as np

NUM_ITEMS = 1000000
EMBED_DIM = 32
BATCH = 16384


def setup_inputs(seed: int = 0) -> dict:
    key = jax.random.key(seed)
    k1, k2, k3 = jax.random.split(key, 3)
    target_items = jax.random.randint(k1, (BATCH,), 0, NUM_ITEMS)
    context_items = jax.random.randint(k2, (BATCH,), 0, NUM_ITEMS)
    # xavier_uniform init for the embedding table (fan_in = num_items+1, fan_out = embed_dim)
    bound = float(np.sqrt(6.0 / ((NUM_ITEMS + 1) + EMBED_DIM)))
    embedding_table = jax.random.uniform(
        k3, (NUM_ITEMS + 1, EMBED_DIM), minval=-bound, maxval=bound, dtype=jnp.float32
    )
    # padding_idx = NUM_ITEMS -> that row is zero
    embedding_table = embedding_table.at[NUM_ITEMS].set(0.0)
    return {
        "target_items": target_items,
        "context_items": context_items,
        "embedding_table": embedding_table,
    }


def reference(target_items, context_items, embedding_table):
    # gather embeddings (embedding lookup)
    target_embeds = jnp.take(embedding_table, target_items, axis=0)
    context_embeds = jnp.take(embedding_table, context_items, axis=0)
    similarity_scores = jnp.sum(target_embeds * context_embeds, axis=-1)
    probabilities = jax.nn.sigmoid(similarity_scores)
    return probabilities

if __name__ == "__main__":
    import jax
    _d = setup_inputs()
    print(jax.jit(kernel)(*tuple(_d.values())))

</pallas_src>

<mosaic_0001>
#map = affine_map<(d0, d1) -> (0, 0)>
#map1 = affine_map<(d0, d1) -> (0, 0, 0)>
#map2 = affine_map<(d0, d1) -> (0)>
module attributes {stable_mosaic.version = 14 : i64} {
  func.func @_body(%arg0: i32, %arg1: i32, %arg2: memref<32x1000001xf32, #tpu.memory_space<hbm>>, %arg3: memref<32x2x512xi32, #tpu.memory_space<hbm>>, %arg4: memref<16384xf32, #tpu.memory_space<hbm>>, %arg5: memref<2x544xi32, #tpu.memory_space<vmem>>, %arg6: memref<32x256xf32, #tpu.memory_space<vmem>>, %arg7: memref<32x256xf32, #tpu.memory_space<vmem>>, %arg8: memref<32x256xf32, #tpu.memory_space<vmem>>, %arg9: memref<32x256xf32, #tpu.memory_space<vmem>>, %arg10: memref<32x256xf32, #tpu.memory_space<vmem>>, %arg11: memref<32x256xf32, #tpu.memory_space<vmem>>, %arg12: memref<32x256xf32, #tpu.memory_space<vmem>>, %arg13: memref<32x256xf32, #tpu.memory_space<vmem>>, %arg14: memref<512xf32, #tpu.memory_space<vmem>>, %arg15: memref<!tpu.dma_semaphore, #tpu.memory_space<semaphore_mem>>, %arg16: memref<!tpu.dma_semaphore, #tpu.memory_space<semaphore_mem>>, %arg17: memref<!tpu.dma_semaphore, #tpu.memory_space<semaphore_mem>>, %arg18: memref<!tpu.dma_semaphore, #tpu.memory_space<semaphore_mem>>) attributes {dimension_semantics = [#tpu.dimension_semantics<core_parallel>, #tpu.dimension_semantics<subcore_parallel>], iteration_bounds = array<i64: 2, 16>, scalar_prefetch = 0 : i64, scratch_operands = 14 : i64, tpu.core_type = #tpu.core_type<sc_vector_subcore>, window_params = [{transform_indices = #map}, {transform_indices = #map1}, {transform_indices = #map2}]} {
    %mul3A = arith.constant 2 : i32
    %mul3A_0 = arith.muli %arg1, %mul3A : i32
    %add3A = arith.addi %mul3A_0, %arg0 : i32
    "tpu.region"() ({
      %run_scoped3A = tpu.sem_alloc : memref<!tpu.dma_semaphore, #tpu.memory_space<semaphore_mem>>
      %dma_start3A_235 = arith.constant 0 : i32
      %dma_start3A_236 = arith.constant 0 : i32
      %dma_start3A_237 = tpu.memref_slice %arg5[%dma_start3A_235, %dma_start3A_236] : memref<2x544xi32, #tpu.memory_space<vmem>> -> memref<2x512xi32, #tpu.memory_space<vmem>>
      %dma_start3A_238 = arith.constant 0 : i32
      %dma_start3A_239 = arith.constant 0 : i32
      %dma_start3A_240 = tpu.memref_slice %arg3[%add3A, %dma_start3A_238, %dma_start3A_239] : memref<32x2x512xi32, #tpu.memory_space<hbm>> -> memref<1x2x512xi32, #tpu.memory_space<hbm>>
      %dma_start3A_241 = tpu.memref_squeeze %dma_start3A_240 : memref<1x2x512xi32, #tpu.memory_space<hbm>> -> memref<2x512xi32, #tpu.memory_space<hbm>>
      %dma_start3A_242 = arith.constant 0 : i32
      %dma_start3A_243 = arith.constant 0 : i32
      %dma_start3A_244 = tpu.memref_slice %arg5[%dma_start3A_242, %dma_start3A_243] : memref<2x544xi32, #tpu.memory_space<vmem>> -> memref<2x512xi32, #tpu.memory_space<vmem>>
      %dma_start3A_245 = arith.constant 0 : i32
      %dma_start3A_246 = arith.constant 0 : i32
      %dma_start3A_247 = tpu.memref_slice %arg3[%add3A, %dma_start3A_245, %dma_start3A_246] : memref<32x2x512xi32, #tpu.memory_space<hbm>> -> memref<1x2x512xi32, #tpu.memory_space<hbm>>
      %dma_start3A_248 = tpu.memref_squeeze %dma_start3A_247 : memref<1x2x512xi32, #tpu.memory_space<hbm>> -> memref<2x512xi32, #tpu.memory_space<hbm>>
      tpu.enqueue_dma source(%dma_start3A_248 : memref<2x512xi32, #tpu.memory_space<hbm>>) target(%dma_start3A_244 : memref<2x512xi32, #tpu.memory_space<vmem>>) target_semaphore(%run_scoped3A : memref<!tpu.dma_semaphore, #tpu.memory_space<semaphore_mem>>)
      %dma_wait3A = arith.constant 0 : i32
      %dma_wait3A_249 = arith.constant 0 : i32
      %dma_wait3A_250 = tpu.memref_slice %arg5[%dma_wait3A, %dma_wait3A_249] : memref<2x544xi32, #tpu.memory_space<vmem>> -> memref<2x512xi32, #tpu.memory_space<vmem>>
      %dma_wait3A_251 = arith.constant 0 : i32
      %dma_wait3A_252 = arith.constant 0 : i32
      %dma_wait3A_253 = tpu.memref_slice %arg3[%add3A, %dma_wait3A_251, %dma_wait3A_252] : memref<32x2x512xi32, #tpu.memory_space<hbm>> -> memref<1x2x512xi32, #tpu.memory_space<hbm>>
      %dma_wait3A_254 = tpu.memref_squeeze %dma_wait3A_253 : memref<1x2x512xi32, #tpu.memory_space<hbm>> -> memref<2x512xi32, #tpu.memory_space<hbm>>
      %dma_wait3A_255 = arith.constant 0 : i32
      %dma_wait3A_256 = arith.constant 0 : i32
      %dma_wait3A_257 = tpu.memref_slice %arg5[%dma_wait3A_255, %dma_wait3A_256] : memref<2x544xi32, #tpu.memory_space<vmem>> -> memref<2x512xi32, #tpu.memory_space<vmem>>
      %dma_wait3A_258 = arith.constant 0 : i32
      %dma_wait3A_259 = arith.constant 0 : i32
      %dma_wait3A_260 = tpu.memref_slice %arg3[%add3A, %dma_wait3A_258, %dma_wait3A_259] : memref<32x2x512xi32, #tpu.memory_space<hbm>> -> memref<1x2x512xi32, #tpu.memory_space<hbm>>
      %dma_wait3A_261 = tpu.memref_squeeze %dma_wait3A_260 : memref<1x2x512xi32, #tpu.memory_space<hbm>> -> memref<2x512xi32, #tpu.memory_space<hbm>>
      tpu.wait_dma2 semaphore(%run_scoped3A : memref<!tpu.dma_semaphore, #tpu.memory_space<semaphore_mem>>) src(%dma_wait3A_261 : memref<2x512xi32, #tpu.memory_space<hbm>>) dst(%dma_wait3A_257 : memref<2x512xi32, #tpu.memory_space<vmem>>)
      tpu.yield
    }) : () -> ()
    %iota3A = tpu.iota {dimensions = array<i32: 0>} : vector<16xi32>
    %get3A = arith.constant 0 : i32
    %get3A_1 = arith.index_cast %get3A : i32 to index
    %get3A_2 = arith.constant 0 : index
    %get3A_3 = tpu.vector_load %arg5[%get3A_1, %get3A_2] {strides = array<i32>} : memref<2x544xi32, #tpu.memory_space<vmem>>, vector<16xi32>,
    %get3A_4 = arith.constant 1 : i32
    %get3A_5 = arith.index_cast %get3A_4 : i32 to index
    %get3A_6 = arith.constant 0 : index
    %get3A_7 = tpu.vector_load %arg5[%get3A_5, %get3A_6] {strides = array<i32>} : memref<2x544xi32, #tpu.memory_space<vmem>>, vector<16xi32>,
    %shift_right_logical3A = arith.constant 7 : i32
    %shift_right_logical3A_8 = vector.broadcast %shift_right_logical3A : i32 to vector<16xi32>
    %shift_right_logical3A_9 = arith.shrui %get3A_3, %shift_right_logical3A_8 : vector<16xi32>
    %min3A = arith.constant 7812 : i32
    %min3A_10 = vector.broadcast %min3A : i32 to vector<16xi32>
    %min3A_11 = arith.minsi %shift_right_logical3A_9, %min3A_10 : vector<16xi32>
    %mul3A_12 = arith.constant 128 : i32
    %mul3A_13 = vector.broadcast %mul3A_12 : i32 to vector<16xi32>
    %mul3A_14 = arith.muli %mul3A_13, %min3A_11 : vector<16xi32>
    %shift_right_logical3A_15 = arith.constant 7 : i32
    %shift_right_logical3A_16 = vector.broadcast %shift_right_logical3A_15 : i32 to vector<16xi32>
    %shift_right_logical3A_17 = arith.shrui %get3A_7, %shift_right_logical3A_16 : vector<16xi32>
    %min3A_18 = arith.constant 7812 : i32
    %min3A_19 = vector.broadcast %min3A_18 : i32 to vector<16xi32>
    %min3A_20 = arith.minsi %shift_right_logical3A_17, %min3A_19 : vector<16xi32>
    %mul3A_21 = arith.constant 128 : i32
    %mul3A_22 = vector.broadcast %mul3A_21 : i32 to vector<16xi32>
    %mul3A_23 = arith.muli %mul3A_22, %min3A_20 : vector<16xi32>
    %slice3A = vector.extract_strided_slice %mul3A_14 {offsets = [0], sizes = [1], strides = [1]} : vector<16xi32> to vector<1xi32>
    %squeeze3A = vector.extract %slice3A[0] : i32 from vector<1xi32>
    %multiple_of3A = tpu.assume_multiple %squeeze3A, 128 : i32
    %slice3A_24 = vector.extract_strided_slice %mul3A_23 {offsets = [0], sizes = [1], strides = [1]} : vector<16xi32> to vector<1xi32>
    %squeeze3A_25 = vector.extract %slice3A_24[0] : i32 from vector<1xi32>
    %multiple_of3A_26 = tpu.assume_multiple %squeeze3A_25, 128 : i32
    %dma_start3A = arith.constant 0 : i32
    %dma_start3A_27 = arith.constant 0 : i32
    %dma_start3A_28 = tpu.memref_slice %arg6[%dma_start3A, %dma_start3A_27] : memref<32x256xf32, #tpu.memory_space<vmem>> -> memref<32x128xf32, #tpu.memory_space<vmem>>
    %dma_start3A_29 = arith.constant 0 : i32
    %dma_start3A_30 = tpu.memref_slice %arg2[%dma_start3A_29, %multiple_of3A] : memref<32x1000001xf32, #tpu.memory_space<hbm>> -> memref<32x128xf32, #tpu.memory_space<hbm>>
    %dma_start3A_31 = arith.constant 0 : i32
    %dma_start3A_32 = arith.constant 0 : i32
    %dma_start3A_33 = tpu.memref_slice %arg6[%dma_start3A_31, %dma_start3A_32] : memref<32x256xf32, #tpu.memory_space<vmem>> -> memref<32x128xf32, #tpu.memory_space<vmem>>
    %dma_start3A_34 = arith.constant 0 : i32
    %dma_start3A_35 = tpu.memref_slice %arg2[%dma_start3A_34, %multiple_of3A] : memref<32x1000001xf32, #tpu.memory_space<hbm>> -> memref<32x128xf32, #tpu.memory_space<hbm>>
    tpu.enqueue_dma source(%dma_start3A_35 : memref<32x128xf32, #tpu.memory_space<hbm>>) target(%dma_start3A_33 : memref<32x128xf32, #tpu.memory_space<vmem>>) target_semaphore(%arg15 : memref<!tpu.dma_semaphore, #tpu.memory_space<semaphore_mem>>)
    %dma_start3A_36 = arith.constant 0 : i32
    %dma_start3A_37 = arith.constant 0 : i32
    %dma_start3A_38 = tpu.memref_slice %arg7[%dma_start3A_36, %dma_start3A_37] : memref<32x256xf32, #tpu.memory_space<vmem>> -> memref<32x128xf32, #tpu.memory_space<vmem>>
    %dma_start3A_39 = arith.constant 0 : i32
    %dma_start3A_40 = tpu.memref_slice %arg2[%dma_start3A_39, %multiple_of3A_26] : memref<32x1000001xf32, #tpu.memory_space<hbm>> -> memref<32x128xf32, #tpu.memory_space<hbm>>
    %dma_start3A_41 = arith.constant 0 : i32
    %dma_start3A_42 = arith.constant 0 : i32
    %dma_start3A_43 = tpu.memref_slice %arg7[%dma_start3A_41, %dma_start3A_42] : memref<32x256xf32, #tpu.memory_space<vmem>> -> memref<32x128xf32, #tpu.memory_space<vmem>>
    %dma_start3A_44 = arith.constant 0 : i32
    %dma_start3A_45 = tpu.memref_slice %arg2[%dma_start3A_44, %multiple_of3A_26] : memref<32x1000001xf32, #tpu.memory_space<hbm>> -> memref<32x128xf32, #tpu.memory_space<hbm>>
    tpu.enqueue_dma source(%dma_start3A_45 : memref<32x128xf32, #tpu.memory_space<hbm>>) target(%dma_start3A_43 : memref<32x128xf32, #tpu.memory_space<vmem>>) target_semaphore(%arg15 : memref<!tpu.dma_semaphore, #tpu.memory_space<semaphore_mem>>)
    %slice3A_46 = vector.extract_strided_slice %mul3A_14 {offsets = [1], sizes = [1], strides = [1]} : vector<16xi32> to vector<1xi32>
    %squeeze3A_47 = vector.extract %slice3A_46[0] : i32 from vector<1xi32>
    %multiple_of3A_48 = tpu.assume_multiple %squeeze3A_47, 128 : i32
    %slice3A_49 = vector.extract_strided_slice %mul3A_23 {offsets = [1], sizes = [1], strides = [1]} : vector<16xi32> to vector<1xi32>
    %squeeze3A_50 = vector.extract %slice3A_49[0] : i32 from vector<1xi32>
    %multiple_of3A_51 = tpu.assume_multiple %squeeze3A_50, 128 : i32
    %dma_start3A_52 = arith.constant 0 : i32
    %dma_start3A_53 = arith.constant 128 : i32
    %dma_start3A_54 = tpu.memref_slice %arg6[%dma_start3A_52, %dma_start3A_53] : memref<32x256xf32, #tpu.memory_space<vmem>> -> memref<32x128xf32, #tpu.memory_space<vmem>>
    %dma_start3A_55 = arith.constant 0 : i32
    %dma_start3A_56 = tpu.memref_slice %arg2[%dma_start3A_55, %multiple_of3A_48] : memref<32x1000001xf32, #tpu.memory_space<hbm>> -> memref<32x128xf32, #tpu.memory_space<hbm>>
    %dma_start3A_57 = arith.constant 0 : i32
    %dma_start3A_58 = arith.constant 128 : i32
    %dma_start3A_59 = tpu.memref_slice %arg6[%dma_start3A_57, %dma_start3A_58] : memref<32x256xf32, #tpu.memory_space<vmem>> -> memref<32x128xf32, #tpu.memory_space<vmem>>
    %dma_start3A_60 = arith.constant 0 : i32
    %dma_start3A_61 = tpu.memref_slice %arg2[%dma_start3A_60, %multiple_of3A_48] : memref<32x1000001xf32, #tpu.memory_space<hbm>> -> memref<32x128xf32, #tpu.memory_space<hbm>>
    tpu.enqueue_dma source(%dma_start3A_61 : memref<32x128xf32, #tpu.memory_space<hbm>>) target(%dma_start3A_59 : memref<32x128xf32, #tpu.memory_space<vmem>>) target_semaphore(%arg15 : memref<!tpu.dma_semaphore, #tpu.memory_space<semaphore_mem>>)
    %dma_start3A_62 = arith.constant 0 : i32
    %dma_start3A_63 = arith.constant 128 : i32
    %dma_start3A_64 = tpu.memref_slice %arg7[%dma_start3A_62, %dma_start3A_63] : memref<32x256xf32, #tpu.memory_space<vmem>> -> memref<32x128xf32, #tpu.memory_space<vmem>>
    %dma_start3A_65 = arith.constant 0 : i32
    %dma_start3A_66 = tpu.memref_slice %arg2[%dma_start3A_65, %multiple_of3A_51] : memref<32x1000001xf32, #tpu.memory_space<hbm>> -> memref<32x128xf32, #tpu.memory_space<hbm>>
    %dma_start3A_67 = arith.constant 0 : i32
    %dma_start3A_68 = arith.constant 128 : i32
    %dma_start3A_69 = tpu.memref_slice %arg7[%dma_start3A_67, %dma_start3A_68] : memref<32x256xf32, #tpu.memory_space<vmem>> -> memref<32x128xf32, #tpu.memory_space<vmem>>
    %dma_start3A_70 = arith.constant 0 : i32
    %dma_start3A_71 = tpu.memref_slice %arg2[%dma_start3A_70, %multiple_of3A_51] : memref<32x1000001xf32, #tpu.memory_space<hbm>> -> memref<32x128xf32, #tpu.memory_space<hbm>>
    tpu.enqueue_dma source(%dma_start3A_71 : memref<32x128xf32, #tpu.memory_space<hbm>>) target(%dma_start3A_69 : memref<32x128xf32, #tpu.memory_space<vmem>>) target_semaphore(%arg15 : memref<!tpu.dma_semaphore, #tpu.memory_space<semaphore_mem>>)
    %get3A_72 = arith.constant 0 : i32
    %get3A_73 = arith.index_cast %get3A_72 : i32 to index
    %get3A_74 = arith.constant 2 : index
    %get3A_75 = tpu.vector_load %arg5[%get3A_73, %get3A_74] {strides = array<i32>} : memref<2x544xi32, #tpu.memory_space<vmem>>, vector<16xi32>,
    %get3A_76 = arith.constant 1 : i32
    %get3A_77 = arith.index_cast %get3A_76 : i32 to index
    %get3A_78 = arith.constant 2 : index
    %get3A_79 = tpu.vector_load %arg5[%get3A_77, %get3A_78] {strides = array<i32>} : memref<2x544xi32, #tpu.memory_space<vmem>>, vector<16xi32>,
    %shift_right_logical3A_80 = arith.constant 7 : i32
    %shift_right_logical3A_81 = vector.broadcast %shift_right_logical3A_80 : i32 to vector<16xi32>
    %shift_right_logical3A_82 = arith.shrui %get3A_75, %shift_right_logical3A_81 : vector<16xi32>
    %min3A_83 = arith.constant 7812 : i32
    %min3A_84 = vector.broadcast %min3A_83 : i32 to vector<16xi32>
    %min3A_85 = arith.minsi %shift_right_logical3A_82, %min3A_84 : vector<16xi32>
    %mul3A_86 = arith.constant 128 : i32
    %mul3A_87 = vector.broadcast %mul3A_86 : i32 to vector<16xi32>
    %mul3A_88 = arith.muli %mul3A_87, %min3A_85 : vector<16xi32>
    %shift_right_logical3A_89 = arith.constant 7 : i32
    %shift_right_logical3A_90 = vector.broadcast %shift_right_logical3A_89 : i32 to vector<16xi32>
    %shift_right_logical3A_91 = arith.shrui %get3A_79, %shift_right_logical3A_90 : vector<16xi32>
    %min3A_92 = arith.constant 7812 : i32
    %min3A_93 = vector.broadcast %min3A_92 : i32 to vector<16xi32>
    %min3A_94 = arith.minsi %shift_right_logical3A_91, %min3A_93 : vector<16xi32>
    %mul3A_95 = arith.constant 128 : i32
    %mul3A_96 = vector.broadcast %mul3A_95 : i32 to vector<16xi32>
    %mul3A_97 = arith.muli %mul3A_96, %min3A_94 : vector<16xi32>
    %slice3A_98 = vector.extract_strided_slice %mul3A_88 {offsets = [0], sizes = [1], strides = [1]} : vector<16xi32> to vector<1xi32>
    %squeeze3A_99 = vector.extract %slice3A_98[0] : i32 from vector<1xi32>
    %multiple_of3A_100 = tpu.assume_multiple %squeeze3A_99, 128 : i32
    %slice3A_101 = vector.extract_strided_slice %mul3A_97 {offsets = [0], sizes = [1], strides = [1]} : vector<16xi32> to vector<1xi32>
    %squeeze3A_102 = vector.extract %slice3A_101[0] : i32 from vector<1xi32>
    %multiple_of3A_103 = tpu.assume_multiple %squeeze3A_102, 128 : i32
    %dma_start3A_104 = arith.constant 0 : i32
    %dma_start3A_105 = arith.constant 0 : i32
    %dma_start3A_106 = tpu.memref_slice %arg8[%dma_start3A_104, %dma_start3A_105] : memref<32x256xf32, #tpu.memory_space<vmem>> -> memref<32x128xf32, #tpu.memory_space<vmem>>
    %dma_start3A_107 = arith.constant 0 : i32
    %dma_start3A_108 = tpu.memref_slice %arg2[%dma_start3A_107, %multiple_of3A_100] : memref<32x1000001xf32, #tpu.memory_space<hbm>> -> memref<32x128xf32, #tpu.memory_space<hbm>>
    %dma_start3A_109 = arith.constant 0 : i32
    %dma_start3A_110 = arith.constant 0 : i32
    %dma_start3A_111 = tpu.memref_slice %arg8[%dma_start3A_109, %dma_start3A_110] : memref<32x256xf32, #tpu.memory_space<vmem>> -> memref<32x128xf32, #tpu.memory_space<vmem>>
    %dma_start3A_112 = arith.constant 0 : i32
    %dma_start3A_113 = tpu.memref_slice %arg2[%dma_start3A_112, %multiple_of3A_100] : memref<32x1000001xf32, #tpu.memory_space<hbm>> -> memref<32x128xf32, #tpu.memory_space<hbm>>
    tpu.enqueue_dma source(%dma_start3A_113 : memref<32x128xf32, #tpu.memory_space<hbm>>) target(%dma_start3A_111 : memref<32x128xf32, #tpu.memory_space<vmem>>) target_semaphore(%arg16 : memref<!tpu.dma_semaphore, #tpu.memory_space<semaphore_mem>>)
    %dma_start3A_114 = arith.constant 0 : i32
    %dma_start3A_115 = arith.constant 0 : i32
    %dma_start3A_116 = tpu.memref_slice %arg9[%dma_start3A_114, %dma_start3A_115] : memref<32x256xf32, #tpu.memory_space<vmem>> -> memref<32x128xf32, #tpu.memory_space<vmem>>
    %dma_start3A_117 = arith.constant 0 : i32
    %dma_start3A_118 = tpu.memref_slice %arg2[%dma_start3A_117, %multiple_of3A_103] : memref<32x1000001xf32, #tpu.memory_space<hbm>> -> memref<32x128xf32, #tpu.memory_space<hbm>>
    %dma_start3A_119 = arith.constant 0 : i32
    %dma_start3A_120 = arith.constant 0 : i32
    %dma_start3A_121 = tpu.memref_slice %arg9[%dma_start3A_119, %dma_start3A_120] : memref<32x256xf32, #tpu.memory_space<vmem>> -> memref<32x128xf32, #tpu.memory_space<vmem>>
    %dma_start3A_122 = arith.constant 0 : i32
    %dma_start3A_123 = tpu.memref_slice %arg2[%dma_start3A_122, %multiple_of3A_103] : memref<32x1000001xf32, #tpu.memory_space<hbm>> -> memref<32x128xf32, #tpu.memory_space<hbm>>
    tpu.enqueue_dma source(%dma_start3A_123 : memref<32x128xf32, #tpu.memory_space<hbm>>) target(%dma_start3A_121 : memref<32x128xf32, #tpu.memory_space<vmem>>) target_semaphore(%arg16 : memref<!tpu.dma_semaphore, #tpu.memory_space<semaphore_mem>>)
    %slice3A_124 = vector.extract_strided_slice %mul3A_88 {offsets = [1], sizes = [1], strides = [1]} : vector<16xi32> to vector<1xi32>
    %squeeze3A_125 = vector.extract %slice3A_124[0] : i32 from vector<1xi32>
    %multiple_of3A_126 = tpu.assume_multiple %squeeze3A_125, 128 : i32
    %slice3A_127 = vector.extract_strided_slice %mul3A_97 {offsets = [1], sizes = [1], strides = [1]} : vector<16xi32> to vector<1xi32>
    %squeeze3A_128 = vector.extract %slice3A_127[0] : i32 from vector<1xi32>
    %multiple_of3A_129 = tpu.assume_multiple %squeeze3A_128, 128 : i32
    %dma_start3A_130 = arith.constant 0 : i32
    %dma_start3A_131 = arith.constant 128 : i32
    %dma_start3A_132 = tpu.memref_slice %arg8[%dma_start3A_130, %dma_start3A_131] : memref<32x256xf32, #tpu.memory_space<vmem>> -> memref<32x128xf32, #tpu.memory_space<vmem>>
    %dma_start3A_133 = arith.constant 0 : i32
    %dma_start3A_134 = tpu.memref_slice %arg2[%dma_start3A_133, %multiple_of3A_126] : memref<32x1000001xf32, #tpu.memory_space<hbm>> -> memref<32x128xf32, #tpu.memory_space<hbm>>
    %dma_start3A_135 = arith.constant 0 : i32
    %dma_start3A_136 = arith.constant 128 : i32
    %dma_start3A_137 = tpu.memref_slice %arg8[%dma_start3A_135, %dma_start3A_136] : memref<32x256xf32, #tpu.memory_space<vmem>> -> memref<32x128xf32, #tpu.memory_space<vmem>>
    %dma_start3A_138 = arith.constant 0 : i32
    %dma_start3A_139 = tpu.memref_slice %arg2[%dma_start3A_138, %multiple_of3A_126] : memref<32x1000001xf32, #tpu.memory_space<hbm>> -> memref<32x128xf32, #tpu.memory_space<hbm>>
    tpu.enqueue_dma source(%dma_start3A_139 : memref<32x128xf32, #tpu.memory_space<hbm>>) target(%dma_start3A_137 : memref<32x128xf32, #tpu.memory_space<vmem>>) target_semaphore(%arg16 : memref<!tpu.dma_semaphore, #tpu.memory_space<semaphore_mem>>)
    %dma_start3A_140 = arith.constant 0 : i32
    %dma_start3A_141 = arith.constant 128 : i32
    %dma_start3A_142 = tpu.memref_slice %arg9[%dma_start3A_140, %dma_start3A_141] : memref<32x256xf32, #tpu.memory_space<vmem>> -> memref<32x128xf32, #tpu.memory_space<vmem>>
    %dma_start3A_143 = arith.constant 0 : i32
    %dma_start3A_144 = tpu.memref_slice %arg2[%dma_start3A_143, %multiple_of3A_129] : memref<32x1000001xf32, #tpu.memory_space<hbm>> -> memref<32x128xf32, #tpu.memory_space<hbm>>
    %dma_start3A_145 = arith.constant 0 : i32
    %dma_start3A_146 = arith.constant 128 : i32
    %dma_start3A_147 = tpu.memref_slice %arg9[%dma_start3A_145, %dma_start3A_146] : memref<32x256xf32, #tpu.memory_space<vmem>> -> memref<32x128xf32, #tpu.memory_space<vmem>>
    %dma_start3A_148 = arith.constant 0 : i32
    %dma_start3A_149 = tpu.memref_slice %arg2[%dma_start3A_148, %multiple_of3A_129] : memref<32x1000001xf32, #tpu.memory_space<hbm>> -> memref<32x128xf32, #tpu.memory_space<hbm>>
    tpu.enqueue_dma source(%dma_start3A_149 : memref<32x128xf32, #tpu.memory_space<hbm>>) target(%dma_start3A_147 : memref<32x128xf32, #tpu.memory_space<vmem>>) target_semaphore(%arg16 : memref<!tpu.dma_semaphore, #tpu.memory_space<semaphore_mem>>)
    %get3A_150 = arith.constant 0 : i32
    %get3A_151 = arith.index_cast %get3A_150 : i32 to index
    %get3A_152 = arith.constant 4 : index
    %get3A_153 = tpu.vector_load %arg5[%get3A_151, %get3A_152] {strides = array<i32>} : memref<2x544xi32, #tpu.memory_space<vmem>>, vector<16xi32>,
    %get3A_154 = arith.constant 1 : i32
    %get3A_155 = arith.index_cast %get3A_154 : i32 to index
    %get3A_156 = arith.constant 4 : index
    %get3A_157 = tpu.vector_load %arg5[%get3A_155, %get3A_156] {strides = array<i32>} : memref<2x544xi32, #tpu.memory_space<vmem>>, vector<16xi32>,
    %shift_right_logical3A_158 = arith.constant 7 : i32
    %shift_right_logical3A_159 = vector.broadcast %shift_right_logical3A_158 : i32 to vector<16xi32>
    %shift_right_logical3A_160 = arith.shrui %get3A_153, %shift_right_logical3A_159 : vector<16xi32>
    %min3A_161 = arith.constant 7812 : i32
    %min3A_162 = vector.broadcast %min3A_161 : i32 to vector<16xi32>
    %min3A_163 = arith.minsi %shift_right_logical3A_160, %min3A_162 : vector<16xi32>
    %mul3A_164 = arith.constant 128 : i32
    %mul3A_165 = vector.broadcast %mul3A_164 : i32 to vector<16xi32>
    %mul3A_166 = arith.muli %mul3A_165, %min3A_163 : vector<16xi32>
    %shift_right_logical3A_167 = arith.constant 7 : i32
    %shift_right_logical3A_168 = vector.broadcast %shift_right_logical3A_167 : i32 to vector<16xi32>
    %shift_right_logical3A_169 = arith.shrui %get3A_157, %shift_right_logical3A_168 : vector<16xi32>
    %min3A_170 = arith.constant 7812 : i32
    %min3A_171 = vector.broadcast %min3A_170 : i32 to vector<16xi32>
    %min3A_172 = arith.minsi %shift_right_logical3A_169, %min3A_171 : vector<16xi32>
    %mul3A_173 = arith.constant 128 : i32
    %mul3A_174 = vector.broadcast %mul3A_173 : i32 to vector<16xi32>
    %mul3A_175 = arith.muli %mul3A_174, %min3A_172 : vector<16xi32>
    %slice3A_176 = vector.extract_strided_slice %mul3A_166 {offsets = [0], sizes = [1], strides = [1]} : vector<16xi32> to vector<1xi32>
    %squeeze3A_177 = vector.extract %slice3A_176[0] : i32 from vector<1xi32>
    %multiple_of3A_178 = tpu.assume_multiple %squeeze3A_177, 128 : i32
    %slice3A_179 = vector.extract_strided_slice %mul3A_175 {offsets = [0], sizes = [1], strides = [1]} : vector<16xi32> to vector<1xi32>
    %squeeze3A_180 = vector.extract %slice3A_179[0] : i32 from vector<1xi32>
    %multiple_of3A_181 = tpu.assume_multiple %squeeze3A_180, 128 : i32
    %dma_start3A_182 = arith.constant 0 : i32
    %dma_start3A_183 = arith.constant 0 : i32
    %dma_start3A_184 = tpu.memref_slice %arg10[%dma_start3A_182, %dma_start3A_183] : memref<32x256xf32, #tpu.memory_space<vmem>> -> memref<32x128xf32, #tpu.memory_space<vmem>>
    %dma_start3A_185 = arith.constant 0 : i32
    %dma_start3A_186 = tpu.memref_slice %arg2[%dma_start3A_185, %multiple_of3A_178] : memref<32x1000001xf32, #tpu.memory_space<hbm>> -> memref<32x128xf32, #tpu.memory_space<hbm>>
    %dma_start3A_187 = arith.constant 0 : i32
    %dma_start3A_188 = arith.constant 0 : i32
    %dma_start3A_189 = tpu.memref_slice %arg10[%dma_start3A_187, %dma_start3A_188] : memref<32x256xf32, #tpu.memory_space<vmem>> -> memref<32x128xf32, #tpu.memory_space<vmem>>
    %dma_start3A_190 = arith.constant 0 : i32
    %dma_start3A_191 = tpu.memref_slice %arg2[%dma_start3A_190, %multiple_of3A_178] : memref<32x1000001xf32, #tpu.memory_space<hbm>> -> memref<32x128xf32, #tpu.memory_space<hbm>>
    tpu.enqueue_dma source(%dma_start3A_191 : memref<32x128xf32, #tpu.memory_space<hbm>>) target(%dma_start3A_189 : memref<32x128xf32, #tpu.memory_space<vmem>>) target_semaphore(%arg17 : memref<!tpu.dma_semaphore, #tpu.memory_space<semaphore_mem>>)
    %dma_start3A_192 = arith.constant 0 : i32
    %dma_start3A_193 = arith.constant 0 : i32
    %dma_start3A_194 = tpu.memref_slice %arg11[%dma_start3A_192, %dma_start3A_193] : memref<32x256xf32, #tpu.memory_space<vmem>> -> memref<32x128xf32, #tpu.memory_space<vmem>>
    %dma_start3A_195 = arith.constant 0 : i32
    %dma_start3A_196 = tpu.memref_slice %arg2[%dma_start3A_195, %multiple_of3A_181] : memref<32x1000001xf32, #tpu.memory_space<hbm>> -> memref<32x128xf32, #tpu.memory_space<hbm>>
    %dma_start3A_197 = arith.constant 0 : i32
    %dma_start3A_198 = arith.constant 0 : i32
    %dma_start3A_199 = tpu.memref_slice %arg11[%dma_start3A_197, %dma_start3A_198] : memref<32x256xf32, #tpu.memory_space<vmem>> -> memref<32x128xf32, #tpu.memory_space<vmem>>
    %dma_start3A_200 = arith.constant 0 : i32
    %dma_start3A_201 = tpu.memref_slice %arg2[%dma_start3A_200, %multiple_of3A_181] : memref<32x1000001xf32, #tpu.memory_space<hbm>> -> memref<32x128xf32, #tpu.memory_space<hbm>>
    tpu.enqueue_dma source(%dma_start3A_201 : memref<32x128xf32, #tpu.memory_space<hbm>>) target(%dma_start3A_199 : memref<32x128xf32, #tpu.memory_space<vmem>>) target_semaphore(%arg17 : memref<!tpu.dma_semaphore, #tpu.memory_space<semaphore_mem>>)
    %slice3A_202 = vector.extract_strided_slice %mul3A_166 {offsets = [1], sizes = [1], strides = [1]} : vector<16xi32> to vector<1xi32>
    %squeeze3A_203 = vector.extract %slice3A_202[0] : i32 from vector<1xi32>
    %multiple_of3A_204 = tpu.assume_multiple %squeeze3A_203, 128 : i32
    %slice3A_205 = vector.extract_strided_slice %mul3A_175 {offsets = [1], sizes = [1], strides = [1]} : vector<16xi32> to vector<1xi32>
    %squeeze3A_206 = vector.extract %slice3A_205[0] : i32 from vector<1xi32>
    %multiple_of3A_207 = tpu.assume_multiple %squeeze3A_206, 128 : i32
    %dma_start3A_208 = arith.constant 0 : i32
    %dma_start3A_209 = arith.constant 128 : i32
    %dma_start3A_210 = tpu.memref_slice %arg10[%dma_start3A_208, %dma_start3A_209] : memref<32x256xf32, #tpu.memory_space<vmem>> -> memref<32x128xf32, #tpu.memory_space<vmem>>
    %dma_start3A_211 = arith.constant 0 : i32
    %dma_start3A_212 = tpu.memref_slice %arg2[%dma_start3A_211, %multiple_of3A_204] : memref<32x1000001xf32, #tpu.memory_space<hbm>> -> memref<32x128xf32, #tpu.memory_space<hbm>>
    %dma_start3A_213 = arith.constant 0 : i32
    %dma_start3A_214 = arith.constant 128 : i32
    %dma_start3A_215 = tpu.memref_slice %arg10[%dma_start3A_213, %dma_start3A_214] : memref<32x256xf32, #tpu.memory_space<vmem>> -> memref<32x128xf32, #tpu.memory_space<vmem>>
    %dma_start3A_216 = arith.constant 0 : i32
    %dma_start3A_217 = tpu.memref_slice %arg2[%dma_start3A_216, %multiple_of3A_204] : memref<32x1000001xf32, #tpu.memory_space<hbm>> -> memref<32x128xf32, #tpu.memory_space<hbm>>
    tpu.enqueue_dma source(%dma_start3A_217 : memref<32x128xf32, #tpu.memory_space<hbm>>) target(%dma_start3A_215 : memref<32x128xf32, #tpu.memory_space<vmem>>) target_semaphore(%arg17 : memref<!tpu.dma_semaphore, #tpu.memory_space<semaphore_mem>>)
    %dma_start3A_218 = arith.constant 0 : i32
    %dma_start3A_219 = arith.constant 128 : i32
    %dma_start3A_220 = tpu.memref_slice %arg11[%dma_start3A_218, %dma_start3A_219] : memref<32x256xf32, #tpu.memory_space<vmem>> -> memref<32x128xf32, #tpu.memory_space<vmem>>
    %dma_start3A_221 = arith.constant 0 : i32
    %dma_start3A_222 = tpu.memref_slice %arg2[%dma_start3A_221, %multiple_of3A_207] : memref<32x1000001xf32, #tpu.memory_space<hbm>> -> memref<32x128xf32, #tpu.memory_space<hbm>>
    %dma_start3A_223 = arith.constant 0 : i32
    %dma_start3A_224 = arith.constant 128 : i32
    %dma_start3A_225 = tpu.memref_slice %arg11[%dma_start3A_223, %dma_start3A_224] : memref<32x256xf32, #tpu.memory_space<vmem>> -> memref<32x128xf32, #tpu.memory_space<vmem>>
    %dma_start3A_226 = arith.constant 0 : i32
    %dma_start3A_227 = tpu.memref_slice %arg2[%dma_start3A_226, %multiple_of3A_207] : memref<32x1000001xf32, #tpu.memory_space<hbm>> -> memref<32x128xf32, #tpu.memory_space<hbm>>
    tpu.enqueue_dma source(%dma_start3A_227 : memref<32x128xf32, #tpu.memory_space<hbm>>) target(%dma_start3A_225 : memref<32x128xf32, #tpu.memory_space<vmem>>) target_semaphore(%arg17 : memref<!tpu.dma_semaphore, #tpu.memory_space<semaphore_mem>>)
    %scan3A = arith.constant 0 : i32
    %scan3A_228 = arith.constant 0 : i32
    %scan3A_229 = arith.constant 256 : i32
    %scan3A_230 = arith.addi %scan3A_228, %scan3A_229 : i32
    %scan3A_231 = arith.constant 1 : i32
    scf.for %scan3A_235 = %scan3A_228 to %scan3A_230 step %scan3A_231  : i32 {
      %and3A = arith.constant 3 : i32
      %and3A_236 = arith.andi %scan3A_235, %and3A : i32
      %eq3A = arith.constant 0 : i32
      %eq3A_237 = arith.cmpi eq, %and3A_236, %eq3A : i32
      %convert_element_type3A = arith.extui %eq3A_237 : i1 to i32
      %cond3A = arith.constant 0 : i32
      %cond3A_238 = arith.cmpi ne, %convert_element_type3A, %cond3A : i32
      scf.if %cond3A_238 {
        %lt3A = arith.constant 253 : i32
        %lt3A_254 = arith.cmpi slt, %scan3A_235, %lt3A : i32
        %convert_element_type3A_255 = arith.extui %lt3A_254 : i1 to i32
        %cond3A_256 = arith.constant 0 : i32
        %cond3A_257 = arith.cmpi ne, %convert_element_type3A_255, %cond3A_256 : i32
        scf.if %cond3A_257 {
          %add3A_378 = arith.constant 4 : i32
          %add3A_379 = arith.addi %scan3A_235, %add3A_378 : i32
          %sub3A = arith.constant 1 : i32
          %sub3A_380 = arith.subi %add3A_379, %sub3A : i32
          %mul3A_381 = arith.constant 2 : i32
          %mul3A_382 = arith.muli %sub3A_380, %mul3A_381 : i32
          %get3A_383 = arith.constant 0 : i32
          %get3A_384 = arith.index_cast %get3A_383 : i32 to index
          %get3A_385 = arith.index_cast %mul3A_382 : i32 to index
          %get3A_386 = tpu.vector_load %arg5[%get3A_384, %get3A_385] {strides = array<i32>} : memref<2x544xi32, #tpu.memory_space<vmem>>, vector<16xi32>,
          %mul3A_387 = arith.constant 2 : i32
          %mul3A_388 = arith.muli %sub3A_380, %mul3A_387 : i32
          %get3A_389 = arith.constant 1 : i32
          %get3A_390 = arith.index_cast %get3A_389 : i32 to index
          %get3A_391 = arith.index_cast %mul3A_388 : i32 to index
          %get3A_392 = tpu.vector_load %arg5[%get3A_390, %get3A_391] {strides = array<i32>} : memref<2x544xi32, #tpu.memory_space<vmem>>, vector<16xi32>,
          %shift_right_logical3A_393 = arith.constant 7 : i32
          %shift_right_logical3A_394 = vector.broadcast %shift_right_logical3A_393 : i32 to vector<16xi32>
          %shift_right_logical3A_395 = arith.shrui %get3A_386, %shift_right_logical3A_394 : vector<16xi32>
          %min3A_396 = arith.constant 7812 : i32
          %min3A_397 = vector.broadcast %min3A_396 : i32 to vector<16xi32>
          %min3A_398 = arith.minsi %shift_right_logical3A_395, %min3A_397 : vector<16xi32>
          %mul3A_399 = arith.constant 128 : i32
          %mul3A_400 = vector.broadcast %mul3A_399 : i32 to vector<16xi32>
          %mul3A_401 = arith.muli %mul3A_400, %min3A_398 : vector<16xi32>
          %shift_right_logical3A_402 = arith.constant 7 : i32
          %shift_right_logical3A_403 = vector.broadcast %shift_right_logical3A_402 : i32 to vector<16xi32>
          %shift_right_logical3A_404 = arith.shrui %get3A_392, %shift_right_logical3A_403 : vector<16xi32>
          %min3A_405 = arith.constant 7812 : i32
          %min3A_406 = vector.broadcast %min3A_405 : i32 to vector<16xi32>
          %min3A_407 = arith.minsi %shift_right_logical3A_404, %min3A_406 : vector<16xi32>
          %mul3A_408 = arith.constant 128 : i32
          %mul3A_409 = vector.broadcast %mul3A_408 : i32 to vector<16xi32>
          %mul3A_410 = arith.muli %mul3A_409, %min3A_407 : vector<16xi32>
          %slice3A_411 = vector.extract_strided_slice %mul3A_401 {offsets = [0], sizes = [1], strides = [1]} : vector<16xi32> to vector<1xi32>
          %squeeze3A_412 = vector.extract %slice3A_411[0] : i32 from vector<1xi32>
          %multiple_of3A_413 = tpu.assume_multiple %squeeze3A_412, 128 : i32
          %slice3A_414 = vector.extract_strided_slice %mul3A_410 {offsets = [0], sizes = [1], strides = [1]} : vector<16xi32> to vector<1xi32>
          %squeeze3A_415 = vector.extract %slice3A_414[0] : i32 from vector<1xi32>
          %multiple_of3A_416 = tpu.assume_multiple %squeeze3A_415, 128 : i32
          %dma_start3A_417 = arith.constant 0 : i32
          %dma_start3A_418 = arith.constant 0 : i32
          %dma_start3A_419 = tpu.memref_slice %arg12[%dma_start3A_417, %dma_start3A_418] : memref<32x256xf32, #tpu.memory_space<vmem>> -> memref<32x128xf32, #tpu.memory_space<vmem>>
          %dma_start3A_420 = arith.constant 0 : i32
          %dma_start3A_421 = tpu.memref_slice %arg2[%dma_start3A_420, %multiple_of3A_413] : memref<32x1000001xf32, #tpu.memory_space<hbm>> -> memref<32x128xf32, #tpu.memory_space<hbm>>
          %dma_start3A_422 = arith.constant 0 : i32
          %dma_start3A_423 = arith.constant 0 : i32
          %dma_start3A_424 = tpu.memref_slice %arg12[%dma_start3A_422, %dma_start3A_423] : memref<32x256xf32, #tpu.memory_space<vmem>> -> memref<32x128xf32, #tpu.memory_space<vmem>>
          %dma_start3A_425 = arith.constant 0 : i32
          %dma_start3A_426 = tpu.memref_slice %arg2[%dma_start3A_425, %multiple_of3A_413] : memref<32x1000001xf32, #tpu.memory_space<hbm>> -> memref<32x128xf32, #tpu.memory_space<hbm>>
          tpu.enqueue_dma source(%dma_start3A_426 : memref<32x128xf32, #tpu.memory_space<hbm>>) target(%dma_start3A_424 : memref<32x128xf32, #tpu.memory_space<vmem>>) target_semaphore(%arg18 : memref<!tpu.dma_semaphore, #tpu.memory_space<semaphore_mem>>)
          %dma_start3A_427 = arith.constant 0 : i32
          %dma_start3A_428 = arith.constant 0 : i32
          %dma_start3A_429 = tpu.memref_slice %arg13[%dma_start3A_427, %dma_start3A_428] : memref<32x256xf32, #tpu.memory_space<vmem>> -> memref<32x128xf32, #tpu.memory_space<vmem>>
          %dma_start3A_430 = arith.constant 0 : i32
          %dma_start3A_431 = tpu.memref_slice %arg2[%dma_start3A_430, %multiple_of3A_416] : memref<32x1000001xf32, #tpu.memory_space<hbm>> -> memref<32x128xf32, #tpu.memory_space<hbm>>
          %dma_start3A_432 = arith.constant 0 : i32
          %dma_start3A_433 = arith.constant 0 : i32
          %dma_start3A_434 = tpu.memref_slice %arg13[%dma_start3A_432, %dma_start3A_433] : memref<32x256xf32, #tpu.memory_space<vmem>> -> memref<32x128xf32, #tpu.memory_space<vmem>>
          %dma_start3A_435 = arith.constant 0 : i32
          %dma_start3A_436 = tpu.memref_slice %arg2[%dma_start3A_435, %multiple_of3A_416] : memref<32x1000001xf32, #tpu.memory_space<hbm>> -> memref<32x128xf32, #tpu.memory_space<hbm>>
          tpu.enqueue_dma source(%dma_start3A_436 : memref<32x128xf32, #tpu.memory_space<hbm>>) target(%dma_start3A_434 : memref<32x128xf32, #tpu.memory_space<vmem>>) target_semaphore(%arg18 : memref<!tpu.dma_semaphore, #tpu.memory_space<semaphore_mem>>)
          %slice3A_437 = vector.extract_strided_slice %mul3A_401 {offsets = [1], sizes = [1], strides = [1]} : vector<16xi32> to vector<1xi32>
          %squeeze3A_438 = vector.extract %slice3A_437[0] : i32 from vector<1xi32>
          %multiple_of3A_439 = tpu.assume_multiple %squeeze3A_438, 128 : i32
          %slice3A_440 = vector.extract_strided_slice %mul3A_410 {offsets = [1], sizes = [1], strides = [1]} : vector<16xi32> to vector<1xi32>
          %squeeze3A_441 = vector.extract %slice3A_440[0] : i32 from vector<1xi32>
          %multiple_of3A_442 = tpu.assume_multiple %squeeze3A_441, 128 : i32
          %dma_start3A_443 = arith.constant 0 : i32
          %dma_start3A_444 = arith.constant 128 : i32
          %dma_start3A_445 = tpu.memref_slice %arg12[%dma_start3A_443, %dma_start3A_444] : memref<32x256xf32, #tpu.memory_space<vmem>> -> memref<32x128xf32, #tpu.memory_space<vmem>>
          %dma_start3A_446 = arith.constant 0 : i32
          %dma_start3A_447 = tpu.memref_slice %arg2[%dma_start3A_446, %multiple_of3A_439] : memref<32x1000001xf32, #tpu.memory_space<hbm>> -> memref<32x128xf32, #tpu.memory_space<hbm>>
          %dma_start3A_448 = arith.constant 0 : i32
          %dma_start3A_449 = arith.constant 128 : i32
          %dma_start3A_450 = tpu.memref_slice %arg12[%dma_start3A_448, %dma_start3A_449] : memref<32x256xf32, #tpu.memory_space<vmem>> -> memref<32x128xf32, #tpu.memory_space<vmem>>
          %dma_start3A_451 = arith.constant 0 : i32
          %dma_start3A_452 = tpu.memref_slice %arg2[%dma_start3A_451, %multiple_of3A_439] : memref<32x1000001xf32, #tpu.memory_space<hbm>> -> memref<32x128xf32, #tpu.memory_space<hbm>>
          tpu.enqueue_dma source(%dma_start3A_452 : memref<32x128xf32, #tpu.memory_space<hbm>>) target(%dma_start3A_450 : memref<32x128xf32, #tpu.memory_space<vmem>>) target_semaphore(%arg18 : memref<!tpu.dma_semaphore, #tpu.memory_space<semaphore_mem>>)
          %dma_start3A_453 = arith.constant 0 : i32
          %dma_start3A_454 = arith.constant 128 : i32
          %dma_start3A_455 = tpu.memref_slice %arg13[%dma_start3A_453, %dma_start3A_454] : memref<32x256xf32, #tpu.memory_space<vmem>> -> memref<32x128xf32, #tpu.memory_space<vmem>>
          %dma_start3A_456 = arith.constant 0 : i32
          %dma_start3A_457 = tpu.memref_slice %arg2[%dma_start3A_456, %multiple_of3A_442] : memref<32x1000001xf32, #tpu.memory_space<hbm>> -> memref<32x128xf32, #tpu.memory_space<hbm>>
          %dma_start3A_458 = arith.constant 0 : i32
          %dma_start3A_459 = arith.constant 128 : i32
          %dma_start3A_460 = tpu.memref_slice %arg13[%dma_start3A_458, %dma_start3A_459] : memref<32x256xf32, #tpu.memory_space<vmem>> -> memref<32x128xf32, #tpu.memory_space<vmem>>
          %dma_start3A_461 = arith.constant 0 : i32
          %dma_start3A_462 = tpu.memref_slice %arg2[%dma_start3A_461, %multiple_of3A_442] : memref<32x1000001xf32, #tpu.memory_space<hbm>> -> memref<32x128xf32, #tpu.memory_space<hbm>>
          tpu.enqueue_dma source(%dma_start3A_462 : memref<32x128xf32, #tpu.memory_space<hbm>>) target(%dma_start3A_460 : memref<32x128xf32, #tpu.memory_space<vmem>>) target_semaphore(%arg18 : memref<!tpu.dma_semaphore, #tpu.memory_space<semaphore_mem>>)
        } else {
        }
        %dma_wait3A = arith.constant 0 : i32
        %dma_wait3A_258 = arith.constant 0 : i32
        %dma_wait3A_259 = tpu.memref_slice %arg2[%dma_wait3A, %dma_wait3A_258] : memref<32x1000001xf32, #tpu.memory_space<hbm>> -> memref<32x256xf32, #tpu.memory_space<hbm>>
        %dma_wait3A_260 = arith.constant 0 : i32
        %dma_wait3A_261 = arith.constant 0 : i32
        %dma_wait3A_262 = tpu.memref_slice %arg2[%dma_wait3A_260, %dma_wait3A_261] : memref<32x1000001xf32, #tpu.memory_space<hbm>> -> memref<32x256xf32, #tpu.memory_space<hbm>>
        tpu.wait_dma2 semaphore(%arg15 : memref<!tpu.dma_semaphore, #tpu.memory_space<semaphore_mem>>) src(%dma_wait3A_262 : memref<32x256xf32, #tpu.memory_space<hbm>>) dst(%arg6 : memref<32x256xf32, #tpu.memory_space<vmem>>)
        %dma_wait3A_263 = arith.constant 0 : i32
        %dma_wait3A_264 = arith.constant 0 : i32
        %dma_wait3A_265 = tpu.memref_slice %arg2[%dma_wait3A_263, %dma_wait3A_264] : memref<32x1000001xf32, #tpu.memory_space<hbm>> -> memref<32x256xf32, #tpu.memory_space<hbm>>
        %dma_wait3A_266 = arith.constant 0 : i32
        %dma_wait3A_267 = arith.constant 0 : i32
        %dma_wait3A_268 = tpu.memref_slice %arg2[%dma_wait3A_266, %dma_wait3A_267] : memref<32x1000001xf32, #tpu.memory_space<hbm>> -> memref<32x256xf32, #tpu.memory_space<hbm>>
        tpu.wait_dma2 semaphore(%arg15 : memref<!tpu.dma_semaphore, #tpu.memory_space<semaphore_mem>>) src(%dma_wait3A_268 : memref<32x256xf32, #tpu.memory_space<hbm>>) dst(%arg7 : memref<32x256xf32, #tpu.memory_space<vmem>>)
        %mul3A_269 = arith.constant 2 : i32
        %mul3A_270 = arith.muli %scan3A_235, %mul3A_269 : i32
        %get3A_271 = arith.constant 0 : i32
        %get3A_272 = arith.index_cast %get3A_271 : i32 to index
        %get3A_273 = arith.index_cast %mul3A_270 : i32 to index
        %get3A_274 = tpu.vector_load %arg5[%get3A_272, %get3A_273] {strides = array<i32>} : memref<2x544xi32, #tpu.memory_space<vmem>>, vector<16xi32>,
        %mul3A_275 = arith.constant 2 : i32
        %mul3A_276 = arith.muli %scan3A_235, %mul3A_275 : i32
        %get3A_277 = arith.constant 1 : i32
        %get3A_278 = arith.index_cast %get3A_277 : i32 to index
        %get3A_279 = arith.index_cast %mul3A_276 : i32 to index
        %get3A_280 = tpu.vector_load %arg5[%get3A_278, %get3A_279] {strides = array<i32>} : memref<2x544xi32, #tpu.memory_space<vmem>>, vector<16xi32>,
        %and3A_281 = arith.constant 127 : i32
        %and3A_282 = vector.broadcast %and3A_281 : i32 to vector<16xi32>
        %and3A_283 = arith.andi %get3A_274, %and3A_282 : vector<16xi32>
        %and3A_284 = arith.constant 127 : i32
        %and3A_285 = vector.broadcast %and3A_284 : i32 to vector<16xi32>
        %and3A_286 = arith.andi %get3A_280, %and3A_285 : vector<16xi32>
        %shift_right_arithmetic3A = arith.constant 3 : i32
        %shift_right_arithmetic3A_287 = arith.shrsi %scan3A_235, %shift_right_arithmetic3A : i32
        %mul3A_288 = arith.constant 16 : i32
        %mul3A_289 = arith.muli %shift_right_arithmetic3A_287, %mul3A_288 : i32
        %get3A_290 = arith.index_cast %mul3A_289 : i32 to index
        %get3A_291 = tpu.vector_load %arg14[%get3A_290] {strides = array<i32>} : memref<512xf32, #tpu.memory_space<vmem>>, vector<16xf32>,
        %slice3A_292 = vector.extract_strided_slice %and3A_283 {offsets = [0], sizes = [1], strides = [1]} : vector<16xi32> to vector<1xi32>
        %squeeze3A_293 = vector.extract %slice3A_292[0] : i32 from vector<1xi32>
        %broadcast_in_dim3A = vector.broadcast %squeeze3A_293 : i32 to vector<16xi32>
        %add3A_294 = arith.constant 0 : i32
        %add3A_295 = vector.broadcast %add3A_294 : i32 to vector<16xi32>
        %add3A_296 = arith.addi %broadcast_in_dim3A, %add3A_295 : vector<16xi32>
        %slice3A_297 = vector.extract_strided_slice %and3A_286 {offsets = [0], sizes = [1], strides = [1]} : vector<16xi32> to vector<1xi32>
        %squeeze3A_298 = vector.extract %slice3A_297[0] : i32 from vector<1xi32>
        %broadcast_in_dim3A_299 = vector.broadcast %squeeze3A_298 : i32 to vector<16xi32>
        %add3A_300 = arith.constant 0 : i32
        %add3A_301 = vector.broadcast %add3A_300 : i32 to vector<16xi32>
        %add3A_302 = arith.addi %broadcast_in_dim3A_299, %add3A_301 : vector<16xi32>
        %gather3A = tpu.vector_load_idx %arg6[%iota3A, %add3A_296] : memref<32x256xf32, #tpu.memory_space<vmem>>[vector<16xi32>, vector<16xi32>], vector<16xf32>,
        %add3A_303 = arith.constant 16 : i32
        %add3A_304 = vector.broadcast %add3A_303 : i32 to vector<16xi32>
        %add3A_305 = arith.addi %add3A_304, %iota3A : vector<16xi32>
        %gather3A_306 = tpu.vector_load_idx %arg6[%add3A_305, %add3A_296] : memref<32x256xf32, #tpu.memory_space<vmem>>[vector<16xi32>, vector<16xi32>], vector<16xf32>,
        %gather3A_307 = tpu.vector_load_idx %arg7[%iota3A, %add3A_302] : memref<32x256xf32, #tpu.memory_space<vmem>>[vector<16xi32>, vector<16xi32>], vector<16xf32>,
        %add3A_308 = arith.constant 16 : i32
        %add3A_309 = vector.broadcast %add3A_308 : i32 to vector<16xi32>
        %add3A_310 = arith.addi %add3A_309, %iota3A : vector<16xi32>
        %gather3A_311 = tpu.vector_load_idx %arg7[%add3A_310, %add3A_302] : memref<32x256xf32, #tpu.memory_space<vmem>>[vector<16xi32>, vector<16xi32>], vector<16xf32>,
        %mul3A_312 = arith.mulf %gather3A, %gather3A_307 : vector<16xf32>
        %mul3A_313 = arith.mulf %gather3A_306, %gather3A_311 : vector<16xf32>
        %add3A_314 = arith.addf %mul3A_312, %mul3A_313 : vector<16xf32>
        %reduce_sum3A = arith.constant true
        %reduce_sum3A_315 = vector.broadcast %reduce_sum3A : i1 to vector<16xi1>
        %reduce_sum3A_316 = tpu.scan <sum>, %add3A_314 masked %reduce_sum3A_315 : vector<16xf32>, vector<16xi1> -> vector<16xf32>
        %reduce_sum3A_317 = vector.extract %reduce_sum3A_316[15] : f32 from vector<16xf32>
        %and3A_318 = arith.constant 7 : i32
        %and3A_319 = arith.andi %scan3A_235, %and3A_318 : i32
        %mul3A_320 = arith.constant 2 : i32
        %mul3A_321 = arith.muli %and3A_319, %mul3A_320 : i32
        %add3A_322 = arith.constant 0 : i32
        %add3A_323 = arith.addi %mul3A_321, %add3A_322 : i32
        %eq3A_324 = vector.broadcast %add3A_323 : i32 to vector<16xi32>
        %eq3A_325 = arith.cmpi eq, %iota3A, %eq3A_324 : vector<16xi32>
        %broadcast_in_dim3A_326 = vector.broadcast %reduce_sum3A_317 : f32 to vector<16xf32>
        %select_n3A = arith.select %eq3A_325, %broadcast_in_dim3A_326, %get3A_291 : vector<16xi1>, vector<16xf32>
        %slice3A_327 = vector.extract_strided_slice %and3A_283 {offsets = [1], sizes = [1], strides = [1]} : vector<16xi32> to vector<1xi32>
        %squeeze3A_328 = vector.extract %slice3A_327[0] : i32 from vector<1xi32>
        %broadcast_in_dim3A_329 = vector.broadcast %squeeze3A_328 : i32 to vector<16xi32>
        %add3A_330 = arith.constant 128 : i32
        %add3A_331 = vector.broadcast %add3A_330 : i32 to vector<16xi32>
        %add3A_332 = arith.addi %broadcast_in_dim3A_329, %add3A_331 : vector<16xi32>
        %slice3A_333 = vector.extract_strided_slice %and3A_286 {offsets = [1], sizes = [1], strides = [1]} : vector<16xi32> to vector<1xi32>
        %squeeze3A_334 = vector.extract %slice3A_333[0] : i32 from vector<1xi32>
        %broadcast_in_dim3A_335 = vector.broadcast %squeeze3A_334 : i32 to vector<16xi32>
        %add3A_336 = arith.constant 128 : i32
        %add3A_337 = vector.broadcast %add3A_336 : i32 to vector<16xi32>
        %add3A_338 = arith.addi %broadcast_in_dim3A_335, %add3A_337 : vector<16xi32>
        %gather3A_339 = tpu.vector_load_idx %arg6[%iota3A, %add3A_332] : memref<32x256xf32, #tpu.memory_space<vmem>>[vector<16xi32>, vector<16xi32>], vector<16xf32>,
        %add3A_340 = arith.constant 16 : i32
        %add3A_341 = vector.broadcast %add3A_340 : i32 to vector<16xi32>
        %add3A_342 = arith.addi %add3A_341, %iota3A : vector<16xi32>
        %gather3A_343 = tpu.vector_load_idx %arg6[%add3A_342, %add3A_332] : memref<32x256xf32, #tpu.memory_space<vmem>>[vector<16xi32>, vector<16xi32>], vector<16xf32>,
        %gather3A_344 = tpu.vector_load_idx %arg7[%iota3A, %add3A_338] : memref<32x256xf32, #tpu.memory_space<vmem>>[vector<16xi32>, vector<16xi32>], vector<16xf32>,
        %add3A_345 = arith.constant 16 : i32
        %add3A_346 = vector.broadcast %add3A_345 : i32 to vector<16xi32>
        %add3A_347 = arith.addi %add3A_346, %iota3A : vector<16xi32>
        %gather3A_348 = tpu.vector_load_idx %arg7[%add3A_347, %add3A_338] : memref<32x256xf32, #tpu.memory_space<vmem>>[vector<16xi32>, vector<16xi32>], vector<16xf32>,
        %mul3A_349 = arith.mulf %gather3A_339, %gather3A_344 : vector<16xf32>
        %mul3A_350 = arith.mulf %gather3A_343, %gather3A_348 : vector<16xf32>
        %add3A_351 = arith.addf %mul3A_349, %mul3A_350 : vector<16xf32>
        %reduce_sum3A_352 = arith.constant true
        %reduce_sum3A_353 = vector.broadcast %reduce_sum3A_352 : i1 to vector<16xi1>
        %reduce_sum3A_354 = tpu.scan <sum>, %add3A_351 masked %reduce_sum3A_353 : vector<16xf32>, vector<16xi1> -> vector<16xf32>
        %reduce_sum3A_355 = vector.extract %reduce_sum3A_354[15] : f32 from vector<16xf32>
        %and3A_356 = arith.constant 7 : i32
        %and3A_357 = arith.andi %scan3A_235, %and3A_356 : i32
        %mul3A_358 = arith.constant 2 : i32
        %mul3A_359 = arith.muli %and3A_357, %mul3A_358 : i32
        %add3A_360 = arith.constant 1 : i32
        %add3A_361 = arith.addi %mul3A_359, %add3A_360 : i32
        %eq3A_362 = vector.broadcast %add3A_361 : i32 to vector<16xi32>
        %eq3A_363 = arith.cmpi eq, %iota3A, %eq3A_362 : vector<16xi32>
        %broadcast_in_dim3A_364 = vector.broadcast %reduce_sum3A_355 : f32 to vector<16xf32>
        %select_n3A_365 = arith.select %eq3A_363, %broadcast_in_dim3A_364, %select_n3A : vector<16xi1>, vector<16xf32>
        %shift_right_arithmetic3A_366 = arith.constant 3 : i32
        %shift_right_arithmetic3A_367 = arith.shrsi %scan3A_235, %shift_right_arithmetic3A_366 : i32
        %mul3A_368 = arith.constant 16 : i32
        %mul3A_369 = arith.muli %shift_right_arithmetic3A_367, %mul3A_368 : i32
        %swap3A = arith.index_cast %mul3A_369 : i32 to index
        %swap3A_370 = tpu.vector_load %arg14[%swap3A] {strides = array<i32>} : memref<512xf32, #tpu.memory_space<vmem>>, vector<16xf32>,
        tpu.vector_store %arg14[%swap3A], %select_n3A_365 {strides = array<i32>} : memref<512xf32, #tpu.memory_space<vmem>>, vector<16xf32>,
        %and3A_371 = arith.constant 7 : i32
        %and3A_372 = arith.andi %scan3A_235, %and3A_371 : i32
        %eq3A_373 = arith.constant 7 : i32
        %eq3A_374 = arith.cmpi eq, %and3A_372, %eq3A_373 : i32
        %convert_element_type3A_375 = arith.extui %eq3A_374 : i1 to i32
        %cond3A_376 = arith.constant 0 : i32
        %cond3A_377 = arith.cmpi ne, %convert_element_type3A_375, %cond3A_376 : i32
        scf.if %cond3A_377 {
          %neg3A = arith.constant 0.000000e+00 : f32
          %neg3A_378 = vector.broadcast %neg3A : f32 to vector<16xf32>
          %neg3A_379 = arith.subf %neg3A_378, %select_n3A_365 : vector<16xf32>
          %exp3A = math.exp %neg3A_379 : vector<16xf32>
          %add3A_380 = arith.constant 1.000000e+00 : f32
          %add3A_381 = vector.broadcast %add3A_380 : f32 to vector<16xf32>
          %add3A_382 = arith.addf %add3A_381, %exp3A : vector<16xf32>
          %div3A = arith.constant 1.000000e+00 : f32
          %div3A_383 = vector.broadcast %div3A : f32 to vector<16xf32>
          %div3A_384 = arith.divf %div3A_383, %add3A_382 : vector<16xf32>
          %shift_right_arithmetic3A_385 = arith.constant 3 : i32
          %shift_right_arithmetic3A_386 = arith.shrsi %scan3A_235, %shift_right_arithmetic3A_385 : i32
          %mul3A_387 = arith.constant 16 : i32
          %mul3A_388 = arith.muli %shift_right_arithmetic3A_386, %mul3A_387 : i32
          %swap3A_389 = arith.index_cast %mul3A_388 : i32 to index
          %swap3A_390 = tpu.vector_load %arg14[%swap3A_389] {strides = array<i32>} : memref<512xf32, #tpu.memory_space<vmem>>, vector<16xf32>,
          tpu.vector_store %arg14[%swap3A_389], %div3A_384 {strides = array<i32>} : memref<512xf32, #tpu.memory_space<vmem>>, vector<16xf32>,
        } else {
        }
      } else {
      }
      %eq3A_239 = arith.constant 1 : i32
      %eq3A_240 = arith.cmpi eq, %and3A_236, %eq3A_239 : i32
      %convert_element_type3A_241 = arith.extui %eq3A_240 : i1 to i32
      %cond3A_242 = arith.constant 0 : i32
      %cond3A_243 = arith.cmpi ne, %convert_element_type3A_241, %cond3A_242 : i32
      scf.if %cond3A_243 {
        %lt3A = arith.constant 253 : i32
        %lt3A_254 = arith.cmpi slt, %scan3A_235, %lt3A : i32
        %convert_element_type3A_255 = arith.extui %lt3A_254 : i1 to i32
        %cond3A_256 = arith.constant 0 : i32
        %cond3A_257 = arith.cmpi ne, %convert_element_type3A_255, %cond3A_256 : i32
        scf.if %cond3A_257 {
          %add3A_378 = arith.constant 4 : i32
          %add3A_379 = arith.addi %scan3A_235, %add3A_378 : i32
          %sub3A = arith.constant 1 : i32
          %sub3A_380 = arith.subi %add3A_379, %sub3A : i32
          %mul3A_381 = arith.constant 2 : i32
          %mul3A_382 = arith.muli %sub3A_380, %mul3A_381 : i32
          %get3A_383 = arith.constant 0 : i32
          %get3A_384 = arith.index_cast %get3A_383 : i32 to index
          %get3A_385 = arith.index_cast %mul3A_382 : i32 to index
          %get3A_386 = tpu.vector_load %arg5[%get3A_384, %get3A_385] {strides = array<i32>} : memref<2x544xi32, #tpu.memory_space<vmem>>, vector<16xi32>,
          %mul3A_387 = arith.constant 2 : i32
          %mul3A_388 = arith.muli %sub3A_380, %mul3A_387 : i32
          %get3A_389 = arith.constant 1 : i32
          %get3A_390 = arith.index_cast %get3A_389 : i32 to index
          %get3A_391 = arith.index_cast %mul3A_388 : i32 to index
          %get3A_392 = tpu.vector_load %arg5[%get3A_390, %get3A_391] {strides = array<i32>} : memref<2x544xi32, #tpu.memory_space<vmem>>, vector<16xi32>,
          %shift_right_logical3A_393 = arith.constant 7 : i32
          %shift_right_logical3A_394 = vector.broadcast %shift_right_logical3A_393 : i32 to vector<16xi32>
          %shift_right_logical3A_395 = arith.shrui %get3A_386, %shift_right_logical3A_394 : vector<16xi32>
          %min3A_396 = arith.constant 7812 : i32
          %min3A_397 = vector.broadcast %min3A_396 : i32 to vector<16xi32>
          %min3A_398 = arith.minsi %shift_right_logical3A_395, %min3A_397 : vector<16xi32>
          %mul3A_399 = arith.constant 128 : i32
          %mul3A_400 = vector.broadcast %mul3A_399 : i32 to vector<16xi32>
          %mul3A_401 = arith.muli %mul3A_400, %min3A_398 : vector<16xi32>
          %shift_right_logical3A_402 = arith.constant 7 : i32
          %shift_right_logical3A_403 = vector.broadcast %shift_right_logical3A_402 : i32 to vector<16xi32>
          %shift_right_logical3A_404 = arith.shrui %get3A_392, %shift_right_logical3A_403 : vector<16xi32>
          %min3A_405 = arith.constant 7812 : i32
          %min3A_406 = vector.broadcast %min3A_405 : i32 to vector<16xi32>
          %min3A_407 = arith.minsi %shift_right_logical3A_404, %min3A_406 : vector<16xi32>
          %mul3A_408 = arith.constant 128 : i32
          %mul3A_409 = vector.broadcast %mul3A_408 : i32 to vector<16xi32>
          %mul3A_410 = arith.muli %mul3A_409, %min3A_407 : vector<16xi32>
          %slice3A_411 = vector.extract_strided_slice %mul3A_401 {offsets = [0], sizes = [1], strides = [1]} : vector<16xi32> to vector<1xi32>
          %squeeze3A_412 = vector.extract %slice3A_411[0] : i32 from vector<1xi32>
          %multiple_of3A_413 = tpu.assume_multiple %squeeze3A_412, 128 : i32
          %slice3A_414 = vector.extract_strided_slice %mul3A_410 {offsets = [0], sizes = [1], strides = [1]} : vector<16xi32> to vector<1xi32>
          %squeeze3A_415 = vector.extract %slice3A_414[0] : i32 from vector<1xi32>
          %multiple_of3A_416 = tpu.assume_multiple %squeeze3A_415, 128 : i32
          %dma_start3A_417 = arith.constant 0 : i32
          %dma_start3A_418 = arith.constant 0 : i32
          %dma_start3A_419 = tpu.memref_slice %arg6[%dma_start3A_417, %dma_start3A_418] : memref<32x256xf32, #tpu.memory_space<vmem>> -> memref<32x128xf32, #tpu.memory_space<vmem>>
          %dma_start3A_420 = arith.constant 0 : i32
          %dma_start3A_421 = tpu.memref_slice %arg2[%dma_start3A_420, %multiple_of3A_413] : memref<32x1000001xf32, #tpu.memory_space<hbm>> -> memref<32x128xf32, #tpu.memory_space<hbm>>
          %dma_start3A_422 = arith.constant 0 : i32
          %dma_start3A_423 = arith.constant 0 : i32
          %dma_start3A_424 = tpu.memref_slice %arg6[%dma_start3A_422, %dma_start3A_423] : memref<32x256xf32, #tpu.memory_space<vmem>> -> memref<32x128xf32, #tpu.memory_space<vmem>>
          %dma_start3A_425 = arith.constant 0 : i32
          %dma_start3A_426 = tpu.memref_slice %arg2[%dma_start3A_425, %multiple_of3A_413] : memref<32x1000001xf32, #tpu.memory_space<hbm>> -> memref<32x128xf32, #tpu.memory_space<hbm>>
          tpu.enqueue_dma source(%dma_start3A_426 : memref<32x128xf32, #tpu.memory_space<hbm>>) target(%dma_start3A_424 : memref<32x128xf32, #tpu.memory_space<vmem>>) target_semaphore(%arg15 : memref<!tpu.dma_semaphore, #tpu.memory_space<semaphore_mem>>)
          %dma_start3A_427 = arith.constant 0 : i32
          %dma_start3A_428 = arith.constant 0 : i32
          %dma_start3A_429 = tpu.memref_slice %arg7[%dma_start3A_427, %dma_start3A_428] : memref<32x256xf32, #tpu.memory_space<vmem>> -> memref<32x128xf32, #tpu.memory_space<vmem>>
          %dma_start3A_430 = arith.constant 0 : i32
          %dma_start3A_431 = tpu.memref_slice %arg2[%dma_start3A_430, %multiple_of3A_416] : memref<32x1000001xf32, #tpu.memory_space<hbm>> -> memref<32x128xf32, #tpu.memory_space<hbm>>
          %dma_start3A_432 = arith.constant 0 : i32
          %dma_start3A_433 = arith.constant 0 : i32
          %dma_start3A_434 = tpu.memref_slice %arg7[%dma_start3A_432, %dma_start3A_433] : memref<32x256xf32, #tpu.memory_space<vmem>> -> memref<32x128xf32, #tpu.memory_space<vmem>>
          %dma_start3A_435 = arith.constant 0 : i32
          %dma_start3A_436 = tpu.memref_slice %arg2[%dma_start3A_435, %multiple_of3A_416] : memref<32x1000001xf32, #tpu.memory_space<hbm>> -> memref<32x128xf32, #tpu.memory_space<hbm>>
          tpu.enqueue_dma source(%dma_start3A_436 : memref<32x128xf32, #tpu.memory_space<hbm>>) target(%dma_start3A_434 : memref<32x128xf32, #tpu.memory_space<vmem>>) target_semaphore(%arg15 : memref<!tpu.dma_semaphore, #tpu.memory_space<semaphore_mem>>)
          %slice3A_437 = vector.extract_strided_slice %mul3A_401 {offsets = [1], sizes = [1], strides = [1]} : vector<16xi32> to vector<1xi32>
          %squeeze3A_438 = vector.extract %slice3A_437[0] : i32 from vector<1xi32>
          %multiple_of3A_439 = tpu.assume_multiple %squeeze3A_438, 128 : i32
          %slice3A_440 = vector.extract_strided_slice %mul3A_410 {offsets = [1], sizes = [1], strides = [1]} : vector<16xi32> to vector<1xi32>
          %squeeze3A_441 = vector.extract %slice3A_440[0] : i32 from vector<1xi32>
          %multiple_of3A_442 = tpu.assume_multiple %squeeze3A_441, 128 : i32
          %dma_start3A_443 = arith.constant 0 : i32
          %dma_start3A_444 = arith.constant 128 : i32
          %dma_start3A_445 = tpu.memref_slice %arg6[%dma_start3A_443, %dma_start3A_444] : memref<32x256xf32, #tpu.memory_space<vmem>> -> memref<32x128xf32, #tpu.memory_space<vmem>>
          %dma_start3A_446 = arith.constant 0 : i32
          %dma_start3A_447 = tpu.memref_slice %arg2[%dma_start3A_446, %multiple_of3A_439] : memref<32x1000001xf32, #tpu.memory_space<hbm>> -> memref<32x128xf32, #tpu.memory_space<hbm>>
          %dma_start3A_448 = arith.constant 0 : i32
          %dma_start3A_449 = arith.constant 128 : i32
          %dma_start3A_450 = tpu.memref_slice %arg6[%dma_start3A_448, %dma_start3A_449] : memref<32x256xf32, #tpu.memory_space<vmem>> -> memref<32x128xf32, #tpu.memory_space<vmem>>
          %dma_start3A_451 = arith.constant 0 : i32
          %dma_start3A_452 = tpu.memref_slice %arg2[%dma_start3A_451, %multiple_of3A_439] : memref<32x1000001xf32, #tpu.memory_space<hbm>> -> memref<32x128xf32, #tpu.memory_space<hbm>>
          tpu.enqueue_dma source(%dma_start3A_452 : memref<32x128xf32, #tpu.memory_space<hbm>>) target(%dma_start3A_450 : memref<32x128xf32, #tpu.memory_space<vmem>>) target_semaphore(%arg15 : memref<!tpu.dma_semaphore, #tpu.memory_space<semaphore_mem>>)
          %dma_start3A_453 = arith.constant 0 : i32
          %dma_start3A_454 = arith.constant 128 : i32
          %dma_start3A_455 = tpu.memref_slice %arg7[%dma_start3A_453, %dma_start3A_454] : memref<32x256xf32, #tpu.memory_space<vmem>> -> memref<32x128xf32, #tpu.memory_space<vmem>>
          %dma_start3A_456 = arith.constant 0 : i32
          %dma_start3A_457 = tpu.memref_slice %arg2[%dma_start3A_456, %multiple_of3A_442] : memref<32x1000001xf32, #tpu.memory_space<hbm>> -> memref<32x128xf32, #tpu.memory_space<hbm>>
          %dma_start3A_458 = arith.constant 0 : i32
          %dma_start3A_459 = arith.constant 128 : i32
          %dma_start3A_460 = tpu.memref_slice %arg7[%dma_start3A_458, %dma_start3A_459] : memref<32x256xf32, #tpu.memory_space<vmem>> -> memref<32x128xf32, #tpu.memory_space<vmem>>
          %dma_start3A_461 = arith.constant 0 : i32
          %dma_start3A_462 = tpu.memref_slice %arg2[%dma_start3A_461, %multiple_of3A_442] : memref<32x1000001xf32, #tpu.memory_space<hbm>> -> memref<32x128xf32, #tpu.memory_space<hbm>>
          tpu.enqueue_dma source(%dma_start3A_462 : memref<32x128xf32, #tpu.memory_space<hbm>>) target(%dma_start3A_460 : memref<32x128xf32, #tpu.memory_space<vmem>>) target_semaphore(%arg15 : memref<!tpu.dma_semaphore, #tpu.memory_space<semaphore_mem>>)
        } else {
        }
        %dma_wait3A = arith.constant 0 : i32
        %dma_wait3A_258 = arith.constant 0 : i32
        %dma_wait3A_259 = tpu.memref_slice %arg2[%dma_wait3A, %dma_wait3A_258] : memref<32x1000001xf32, #tpu.memory_space<hbm>> -> memref<32x256xf32, #tpu.memory_space<hbm>>
        %dma_wait3A_260 = arith.constant 0 : i32
        %dma_wait3A_261 = arith.constant 0 : i32
        %dma_wait3A_262 = tpu.memref_slice %arg2[%dma_wait3A_260, %dma_wait3A_261] : memref<32x1000001xf32, #tpu.memory_space<hbm>> -> memref<32x256xf32, #tpu.memory_space<hbm>>
        tpu.wait_dma2 semaphore(%arg16 : memref<!tpu.dma_semaphore, #tpu.memory_space<semaphore_mem>>) src(%dma_wait3A_262 : memref<32x256xf32, #tpu.memory_space<hbm>>) dst(%arg8 : memref<32x256xf32, #tpu.memory_space<vmem>>)
        %dma_wait3A_263 = arith.constant 0 : i32
        %dma_wait3A_264 = arith.constant 0 : i32
        %dma_wait3A_265 = tpu.memref_slice %arg2[%dma_wait3A_263, %dma_wait3A_264] : memref<32x1000001xf32, #tpu.memory_space<hbm>> -> memref<32x256xf32, #tpu.memory_space<hbm>>
        %dma_wait3A_266 = arith.constant 0 : i32
        %dma_wait3A_267 = arith.constant 0 : i32
        %dma_wait3A_268 = tpu.memref_slice %arg2[%dma_wait3A_266, %dma_wait3A_267] : memref<32x1000001xf32, #tpu.memory_space<hbm>> -> memref<32x256xf32, #tpu.memory_space<hbm>>
        tpu.wait_dma2 semaphore(%arg16 : memref<!tpu.dma_semaphore, #tpu.memory_space<semaphore_mem>>) src(%dma_wait3A_268 : memref<32x256xf32, #tpu.memory_space<hbm>>) dst(%arg9 : memref<32x256xf32, #tpu.memory_space<vmem>>)
        %mul3A_269 = arith.constant 2 : i32
        %mul3A_270 = arith.muli %scan3A_235, %mul3A_269 : i32
        %get3A_271 = arith.constant 0 : i32
        %get3A_272 = arith.index_cast %get3A_271 : i32 to index
        %get3A_273 = arith.index_cast %mul3A_270 : i32 to index
        %get3A_274 = tpu.vector_load %arg5[%get3A_272, %get3A_273] {strides = array<i32>} : memref<2x544xi32, #tpu.memory_space<vmem>>, vector<16xi32>,
        %mul3A_275 = arith.constant 2 : i32
        %mul3A_276 = arith.muli %scan3A_235, %mul3A_275 : i32
        %get3A_277 = arith.constant 1 : i32
        %get3A_278 = arith.index_cast %get3A_277 : i32 to index
        %get3A_279 = arith.index_cast %mul3A_276 : i32 to index
        %get3A_280 = tpu.vector_load %arg5[%get3A_278, %get3A_279] {strides = array<i32>} : memref<2x544xi32, #tpu.memory_space<vmem>>, vector<16xi32>,
        %and3A_281 = arith.constant 127 : i32
        %and3A_282 = vector.broadcast %and3A_281 : i32 to vector<16xi32>
        %and3A_283 = arith.andi %get3A_274, %and3A_282 : vector<16xi32>
        %and3A_284 = arith.constant 127 : i32
        %and3A_285 = vector.broadcast %and3A_284 : i32 to vector<16xi32>
        %and3A_286 = arith.andi %get3A_280, %and3A_285 : vector<16xi32>
        %shift_right_arithmetic3A = arith.constant 3 : i32
        %shift_right_arithmetic3A_287 = arith.shrsi %scan3A_235, %shift_right_arithmetic3A : i32
        %mul3A_288 = arith.constant 16 : i32
        %mul3A_289 = arith.muli %shift_right_arithmetic3A_287, %mul3A_288 : i32
        %get3A_290 = arith.index_cast %mul3A_289 : i32 to index
        %get3A_291 = tpu.vector_load %arg14[%get3A_290] {strides = array<i32>} : memref<512xf32, #tpu.memory_space<vmem>>, vector<16xf32>,
        %slice3A_292 = vector.extract_strided_slice %and3A_283 {offsets = [0], sizes = [1], strides = [1]} : vector<16xi32> to vector<1xi32>
        %squeeze3A_293 = vector.extract %slice3A_292[0] : i32 from vector<1xi32>
        %broadcast_in_dim3A = vector.broadcast %squeeze3A_293 : i32 to vector<16xi32>
        %add3A_294 = arith.constant 0 : i32
        %add3A_295 = vector.broadcast %add3A_294 : i32 to vector<16xi32>
        %add3A_296 = arith.addi %broadcast_in_dim3A, %add3A_295 : vector<16xi32>
        %slice3A_297 = vector.extract_strided_slice %and3A_286 {offsets = [0], sizes = [1], strides = [1]} : vector<16xi32> to vector<1xi32>
        %squeeze3A_298 = vector.extract %slice3A_297[0] : i32 from vector<1xi32>
        %broadcast_in_dim3A_299 = vector.broadcast %squeeze3A_298 : i32 to vector<16xi32>
        %add3A_300 = arith.constant 0 : i32
        %add3A_301 = vector.broadcast %add3A_300 : i32 to vector<16xi32>
        %add3A_302 = arith.addi %broadcast_in_dim3A_299, %add3A_301 : vector<16xi32>
        %gather3A = tpu.vector_load_idx %arg8[%iota3A, %add3A_296] : memref<32x256xf32, #tpu.memory_space<vmem>>[vector<16xi32>, vector<16xi32>], vector<16xf32>,
        %add3A_303 = arith.constant 16 : i32
        %add3A_304 = vector.broadcast %add3A_303 : i32 to vector<16xi32>
        %add3A_305 = arith.addi %add3A_304, %iota3A : vector<16xi32>
        %gather3A_306 = tpu.vector_load_idx %arg8[%add3A_305, %add3A_296] : memref<32x256xf32, #tpu.memory_space<vmem>>[vector<16xi32>, vector<16xi32>], vector<16xf32>,
        %gather3A_307 = tpu.vector_load_idx %arg9[%iota3A, %add3A_302] : memref<32x256xf32, #tpu.memory_space<vmem>>[vector<16xi32>, vector<16xi32>], vector<16xf32>,
        %add3A_308 = arith.constant 16 : i32
        %add3A_309 = vector.broadcast %add3A_308 : i32 to vector<16xi32>
        %add3A_310 = arith.addi %add3A_309, %iota3A : vector<16xi32>
        %gather3A_311 = tpu.vector_load_idx %arg9[%add3A_310, %add3A_302] : memref<32x256xf32, #tpu.memory_space<vmem>>[vector<16xi32>, vector<16xi32>], vector<16xf32>,
        %mul3A_312 = arith.mulf %gather3A, %gather3A_307 : vector<16xf32>
        %mul3A_313 = arith.mulf %gather3A_306, %gather3A_311 : vector<16xf32>
        %add3A_314 = arith.addf %mul3A_312, %mul3A_313 : vector<16xf32>
        %reduce_sum3A = arith.constant true
        %reduce_sum3A_315 = vector.broadcast %reduce_sum3A : i1 to vector<16xi1>
        %reduce_sum3A_316 = tpu.scan <sum>, %add3A_314 masked %reduce_sum3A_315 : vector<16xf32>, vector<16xi1> -> vector<16xf32>
        %reduce_sum3A_317 = vector.extract %reduce_sum3A_316[15] : f32 from vector<16xf32>
        %and3A_318 = arith.constant 7 : i32
        %and3A_319 = arith.andi %scan3A_235, %and3A_318 : i32
        %mul3A_320 = arith.constant 2 : i32
        %mul3A_321 = arith.muli %and3A_319, %mul3A_320 : i32
        %add3A_322 = arith.constant 0 : i32
        %add3A_323 = arith.addi %mul3A_321, %add3A_322 : i32
        %eq3A_324 = vector.broadcast %add3A_323 : i32 to vector<16xi32>
        %eq3A_325 = arith.cmpi eq, %iota3A, %eq3A_324 : vector<16xi32>
        %broadcast_in_dim3A_326 = vector.broadcast %reduce_sum3A_317 : f32 to vector<16xf32>
        %select_n3A = arith.select %eq3A_325, %broadcast_in_dim3A_326, %get3A_291 : vector<16xi1>, vector<16xf32>
        %slice3A_327 = vector.extract_strided_slice %and3A_283 {offsets = [1], sizes = [1], strides = [1]} : vector<16xi32> to vector<1xi32>
        %squeeze3A_328 = vector.extract %slice3A_327[0] : i32 from vector<1xi32>
        %broadcast_in_dim3A_329 = vector.broadcast %squeeze3A_328 : i32 to vector<16xi32>
        %add3A_330 = arith.constant 128 : i32
        %add3A_331 = vector.broadcast %add3A_330 : i32 to vector<16xi32>
        %add3A_332 = arith.addi %broadcast_in_dim3A_329, %add3A_331 : vector<16xi32>
        %slice3A_333 = vector.extract_strided_slice %and3A_286 {offsets = [1], sizes = [1], strides = [1]} : vector<16xi32> to vector<1xi32>
        %squeeze3A_334 = vector.extract %slice3A_333[0] : i32 from vector<1xi32>
        %broadcast_in_dim3A_335 = vector.broadcast %squeeze3A_334 : i32 to vector<16xi32>
        %add3A_336 = arith.constant 128 : i32
        %add3A_337 = vector.broadcast %add3A_336 : i32 to vector<16xi32>
        %add3A_338 = arith.addi %broadcast_in_dim3A_335, %add3A_337 : vector<16xi32>
        %gather3A_339 = tpu.vector_load_idx %arg8[%iota3A, %add3A_332] : memref<32x256xf32, #tpu.memory_space<vmem>>[vector<16xi32>, vector<16xi32>], vector<16xf32>,
        %add3A_340 = arith.constant 16 : i32
        %add3A_341 = vector.broadcast %add3A_340 : i32 to vector<16xi32>
        %add3A_342 = arith.addi %add3A_341, %iota3A : vector<16xi32>
        %gather3A_343 = tpu.vector_load_idx %arg8[%add3A_342, %add3A_332] : memref<32x256xf32, #tpu.memory_space<vmem>>[vector<16xi32>, vector<16xi32>], vector<16xf32>,
        %gather3A_344 = tpu.vector_load_idx %arg9[%iota3A, %add3A_338] : memref<32x256xf32, #tpu.memory_space<vmem>>[vector<16xi32>, vector<16xi32>], vector<16xf32>,
        %add3A_345 = arith.constant 16 : i32
        %add3A_346 = vector.broadcast %add3A_345 : i32 to vector<16xi32>
        %add3A_347 = arith.addi %add3A_346, %iota3A : vector<16xi32>
        %gather3A_348 = tpu.vector_load_idx %arg9[%add3A_347, %add3A_338] : memref<32x256xf32, #tpu.memory_space<vmem>>[vector<16xi32>, vector<16xi32>], vector<16xf32>,
        %mul3A_349 = arith.mulf %gather3A_339, %gather3A_344 : vector<16xf32>
        %mul3A_350 = arith.mulf %gather3A_343, %gather3A_348 : vector<16xf32>
        %add3A_351 = arith.addf %mul3A_349, %mul3A_350 : vector<16xf32>
        %reduce_sum3A_352 = arith.constant true
        %reduce_sum3A_353 = vector.broadcast %reduce_sum3A_352 : i1 to vector<16xi1>
        %reduce_sum3A_354 = tpu.scan <sum>, %add3A_351 masked %reduce_sum3A_353 : vector<16xf32>, vector<16xi1> -> vector<16xf32>
        %reduce_sum3A_355 = vector.extract %reduce_sum3A_354[15] : f32 from vector<16xf32>
        %and3A_356 = arith.constant 7 : i32
        %and3A_357 = arith.andi %scan3A_235, %and3A_356 : i32
        %mul3A_358 = arith.constant 2 : i32
        %mul3A_359 = arith.muli %and3A_357, %mul3A_358 : i32
        %add3A_360 = arith.constant 1 : i32
        %add3A_361 = arith.addi %mul3A_359, %add3A_360 : i32
        %eq3A_362 = vector.broadcast %add3A_361 : i32 to vector<16xi32>
        %eq3A_363 = arith.cmpi eq, %iota3A, %eq3A_362 : vector<16xi32>
        %broadcast_in_dim3A_364 = vector.broadcast %reduce_sum3A_355 : f32 to vector<16xf32>
        %select_n3A_365 = arith.select %eq3A_363, %broadcast_in_dim3A_364, %select_n3A : vector<16xi1>, vector<16xf32>
        %shift_right_arithmetic3A_366 = arith.constant 3 : i32
        %shift_right_arithmetic3A_367 = arith.shrsi %scan3A_235, %shift_right_arithmetic3A_366 : i32
        %mul3A_368 = arith.constant 16 : i32
        %mul3A_369 = arith.muli %shift_right_arithmetic3A_367, %mul3A_368 : i32
        %swap3A = arith.index_cast %mul3A_369 : i32 to index
        %swap3A_370 = tpu.vector_load %arg14[%swap3A] {strides = array<i32>} : memref<512xf32, #tpu.memory_space<vmem>>, vector<16xf32>,
        tpu.vector_store %arg14[%swap3A], %select_n3A_365 {strides = array<i32>} : memref<512xf32, #tpu.memory_space<vmem>>, vector<16xf32>,
        %and3A_371 = arith.constant 7 : i32
        %and3A_372 = arith.andi %scan3A_235, %and3A_371 : i32
        %eq3A_373 = arith.constant 7 : i32
        %eq3A_374 = arith.cmpi eq, %and3A_372, %eq3A_373 : i32
        %convert_element_type3A_375 = arith.extui %eq3A_374 : i1 to i32
        %cond3A_376 = arith.constant 0 : i32
        %cond3A_377 = arith.cmpi ne, %convert_element_type3A_375, %cond3A_376 : i32
        scf.if %cond3A_377 {
          %neg3A = arith.constant 0.000000e+00 : f32
          %neg3A_378 = vector.broadcast %neg3A : f32 to vector<16xf32>
          %neg3A_379 = arith.subf %neg3A_378, %select_n3A_365 : vector<16xf32>
          %exp3A = math.exp %neg3A_379 : vector<16xf32>
          %add3A_380 = arith.constant 1.000000e+00 : f32
          %add3A_381 = vector.broadcast %add3A_380 : f32 to vector<16xf32>
          %add3A_382 = arith.addf %add3A_381, %exp3A : vector<16xf32>
          %div3A = arith.constant 1.000000e+00 : f32
          %div3A_383 = vector.broadcast %div3A : f32 to vector<16xf32>
          %div3A_384 = arith.divf %div3A_383, %add3A_382 : vector<16xf32>
          %shift_right_arithmetic3A_385 = arith.constant 3 : i32
          %shift_right_arithmetic3A_386 = arith.shrsi %scan3A_235, %shift_right_arithmetic3A_385 : i32
          %mul3A_387 = arith.constant 16 : i32
          %mul3A_388 = arith.muli %shift_right_arithmetic3A_386, %mul3A_387 : i32
          %swap3A_389 = arith.index_cast %mul3A_388 : i32 to index
          %swap3A_390 = tpu.vector_load %arg14[%swap3A_389] {strides = array<i32>} : memref<512xf32, #tpu.memory_space<vmem>>, vector<16xf32>,
          tpu.vector_store %arg14[%swap3A_389], %div3A_384 {strides = array<i32>} : memref<512xf32, #tpu.memory_space<vmem>>, vector<16xf32>,
        } else {
        }
      } else {
      }
      %eq3A_244 = arith.constant 2 : i32
      %eq3A_245 = arith.cmpi eq, %and3A_236, %eq3A_244 : i32
      %convert_element_type3A_246 = arith.extui %eq3A_245 : i1 to i32
      %cond3A_247 = arith.constant 0 : i32
      %cond3A_248 = arith.cmpi ne, %convert_element_type3A_246, %cond3A_247 : i32
      scf.if %cond3A_248 {
        %lt3A = arith.constant 253 : i32
        %lt3A_254 = arith.cmpi slt, %scan3A_235, %lt3A : i32
        %convert_element_type3A_255 = arith.extui %lt3A_254 : i1 to i32
        %cond3A_256 = arith.constant 0 : i32
        %cond3A_257 = arith.cmpi ne, %convert_element_type3A_255, %cond3A_256 : i32
        scf.if %cond3A_257 {
          %add3A_378 = arith.constant 4 : i32
          %add3A_379 = arith.addi %scan3A_235, %add3A_378 : i32
          %sub3A = arith.constant 1 : i32
          %sub3A_380 = arith.subi %add3A_379, %sub3A : i32
          %mul3A_381 = arith.constant 2 : i32
          %mul3A_382 = arith.muli %sub3A_380, %mul3A_381 : i32
          %get3A_383 = arith.constant 0 : i32
          %get3A_384 = arith.index_cast %get3A_383 : i32 to index
          %get3A_385 = arith.index_cast %mul3A_382 : i32 to index
          %get3A_386 = tpu.vector_load %arg5[%get3A_384, %get3A_385] {strides = array<i32>} : memref<2x544xi32, #tpu.memory_space<vmem>>, vector<16xi32>,
          %mul3A_387 = arith.constant 2 : i32
          %mul3A_388 = arith.muli %sub3A_380, %mul3A_387 : i32
          %get3A_389 = arith.constant 1 : i32
          %get3A_390 = arith.index_cast %get3A_389 : i32 to index
          %get3A_391 = arith.index_cast %mul3A_388 : i32 to index
          %get3A_392 = tpu.vector_load %arg5[%get3A_390, %get3A_391] {strides = array<i32>} : memref<2x544xi32, #tpu.memory_space<vmem>>, vector<16xi32>,
          %shift_right_logical3A_393 = arith.constant 7 : i32
          %shift_right_logical3A_394 = vector.broadcast %shift_right_logical3A_393 : i32 to vector<16xi32>
          %shift_right_logical3A_395 = arith.shrui %get3A_386, %shift_right_logical3A_394 : vector<16xi32>
          %min3A_396 = arith.constant 7812 : i32
          %min3A_397 = vector.broadcast %min3A_396 : i32 to vector<16xi32>
          %min3A_398 = arith.minsi %shift_right_logical3A_395, %min3A_397 : vector<16xi32>
          %mul3A_399 = arith.constant 128 : i32
          %mul3A_400 = vector.broadcast %mul3A_399 : i32 to vector<16xi32>
          %mul3A_401 = arith.muli %mul3A_400, %min3A_398 : vector<16xi32>
          %shift_right_logical3A_402 = arith.constant 7 : i32
          %shift_right_logical3A_403 = vector.broadcast %shift_right_logical3A_402 : i32 to vector<16xi32>
          %shift_right_logical3A_404 = arith.shrui %get3A_392, %shift_right_logical3A_403 : vector<16xi32>
          %min3A_405 = arith.constant 7812 : i32
          %min3A_406 = vector.broadcast %min3A_405 : i32 to vector<16xi32>
          %min3A_407 = arith.minsi %shift_right_logical3A_404, %min3A_406 : vector<16xi32>
          %mul3A_408 = arith.constant 128 : i32
          %mul3A_409 = vector.broadcast %mul3A_408 : i32 to vector<16xi32>
          %mul3A_410 = arith.muli %mul3A_409, %min3A_407 : vector<16xi32>
          %slice3A_411 = vector.extract_strided_slice %mul3A_401 {offsets = [0], sizes = [1], strides = [1]} : vector<16xi32> to vector<1xi32>
          %squeeze3A_412 = vector.extract %slice3A_411[0] : i32 from vector<1xi32>
          %multiple_of3A_413 = tpu.assume_multiple %squeeze3A_412, 128 : i32
          %slice3A_414 = vector.extract_strided_slice %mul3A_410 {offsets = [0], sizes = [1], strides = [1]} : vector<16xi32> to vector<1xi32>
          %squeeze3A_415 = vector.extract %slice3A_414[0] : i32 from vector<1xi32>
          %multiple_of3A_416 = tpu.assume_multiple %squeeze3A_415, 128 : i32
          %dma_start3A_417 = arith.constant 0 : i32
          %dma_start3A_418 = arith.constant 0 : i32
          %dma_start3A_419 = tpu.memref_slice %arg8[%dma_start3A_417, %dma_start3A_418] : memref<32x256xf32, #tpu.memory_space<vmem>> -> memref<32x128xf32, #tpu.memory_space<vmem>>
          %dma_start3A_420 = arith.constant 0 : i32
          %dma_start3A_421 = tpu.memref_slice %arg2[%dma_start3A_420, %multiple_of3A_413] : memref<32x1000001xf32, #tpu.memory_space<hbm>> -> memref<32x128xf32, #tpu.memory_space<hbm>>
          %dma_start3A_422 = arith.constant 0 : i32
          %dma_start3A_423 = arith.constant 0 : i32
          %dma_start3A_424 = tpu.memref_slice %arg8[%dma_start3A_422, %dma_start3A_423] : memref<32x256xf32, #tpu.memory_space<vmem>> -> memref<32x128xf32, #tpu.memory_space<vmem>>
          %dma_start3A_425 = arith.constant 0 : i32
          %dma_start3A_426 = tpu.memref_slice %arg2[%dma_start3A_425, %multiple_of3A_413] : memref<32x1000001xf32, #tpu.memory_space<hbm>> -> memref<32x128xf32, #tpu.memory_space<hbm>>
          tpu.enqueue_dma source(%dma_start3A_426 : memref<32x128xf32, #tpu.memory_space<hbm>>) target(%dma_start3A_424 : memref<32x128xf32, #tpu.memory_space<vmem>>) target_semaphore(%arg16 : memref<!tpu.dma_semaphore, #tpu.memory_space<semaphore_mem>>)
          %dma_start3A_427 = arith.constant 0 : i32
          %dma_start3A_428 = arith.constant 0 : i32
          %dma_start3A_429 = tpu.memref_slice %arg9[%dma_start3A_427, %dma_start3A_428] : memref<32x256xf32, #tpu.memory_space<vmem>> -> memref<32x128xf32, #tpu.memory_space<vmem>>
          %dma_start3A_430 = arith.constant 0 : i32
          %dma_start3A_431 = tpu.memref_slice %arg2[%dma_start3A_430, %multiple_of3A_416] : memref<32x1000001xf32, #tpu.memory_space<hbm>> -> memref<32x128xf32, #tpu.memory_space<hbm>>
          %dma_start3A_432 = arith.constant 0 : i32
          %dma_start3A_433 = arith.constant 0 : i32
          %dma_start3A_434 = tpu.memref_slice %arg9[%dma_start3A_432, %dma_start3A_433] : memref<32x256xf32, #tpu.memory_space<vmem>> -> memref<32x128xf32, #tpu.memory_space<vmem>>
          %dma_start3A_435 = arith.constant 0 : i32
          %dma_start3A_436 = tpu.memref_slice %arg2[%dma_start3A_435, %multiple_of3A_416] : memref<32x1000001xf32, #tpu.memory_space<hbm>> -> memref<32x128xf32, #tpu.memory_space<hbm>>
          tpu.enqueue_dma source(%dma_start3A_436 : memref<32x128xf32, #tpu.memory_space<hbm>>) target(%dma_start3A_434 : memref<32x128xf32, #tpu.memory_space<vmem>>) target_semaphore(%arg16 : memref<!tpu.dma_semaphore, #tpu.memory_space<semaphore_mem>>)
          %slice3A_437 = vector.extract_strided_slice %mul3A_401 {offsets = [1], sizes = [1], strides = [1]} : vector<16xi32> to vector<1xi32>
          %squeeze3A_438 = vector.extract %slice3A_437[0] : i32 from vector<1xi32>
          %multiple_of3A_439 = tpu.assume_multiple %squeeze3A_438, 128 : i32
          %slice3A_440 = vector.extract_strided_slice %mul3A_410 {offsets = [1], sizes = [1], strides = [1]} : vector<16xi32> to vector<1xi32>
          %squeeze3A_441 = vector.extract %slice3A_440[0] : i32 from vector<1xi32>
          %multiple_of3A_442 = tpu.assume_multiple %squeeze3A_441, 128 : i32
          %dma_start3A_443 = arith.constant 0 : i32
          %dma_start3A_444 = arith.constant 128 : i32
          %dma_start3A_445 = tpu.memref_slice %arg8[%dma_start3A_443, %dma_start3A_444] : memref<32x256xf32, #tpu.memory_space<vmem>> -> memref<32x128xf32, #tpu.memory_space<vmem>>
          %dma_start3A_446 = arith.constant 0 : i32
          %dma_start3A_447 = tpu.memref_slice %arg2[%dma_start3A_446, %multiple_of3A_439] : memref<32x1000001xf32, #tpu.memory_space<hbm>> -> memref<32x128xf32, #tpu.memory_space<hbm>>
          %dma_start3A_448 = arith.constant 0 : i32
          %dma_start3A_449 = arith.constant 128 : i32
          %dma_start3A_450 = tpu.memref_slice %arg8[%dma_start3A_448, %dma_start3A_449] : memref<32x256xf32, #tpu.memory_space<vmem>> -> memref<32x128xf32, #tpu.memory_space<vmem>>
          %dma_start3A_451 = arith.constant 0 : i32
          %dma_start3A_452 = tpu.memref_slice %arg2[%dma_start3A_451, %multiple_of3A_439] : memref<32x1000001xf32, #tpu.memory_space<hbm>> -> memref<32x128xf32, #tpu.memory_space<hbm>>
          tpu.enqueue_dma source(%dma_start3A_452 : memref<32x128xf32, #tpu.memory_space<hbm>>) target(%dma_start3A_450 : memref<32x128xf32, #tpu.memory_space<vmem>>) target_semaphore(%arg16 : memref<!tpu.dma_semaphore, #tpu.memory_space<semaphore_mem>>)
          %dma_start3A_453 = arith.constant 0 : i32
          %dma_start3A_454 = arith.constant 128 : i32
          %dma_start3A_455 = tpu.memref_slice %arg9[%dma_start3A_453, %dma_start3A_454] : memref<32x256xf32, #tpu.memory_space<vmem>> -> memref<32x128xf32, #tpu.memory_space<vmem>>
          %dma_start3A_456 = arith.constant 0 : i32
          %dma_start3A_457 = tpu.memref_slice %arg2[%dma_start3A_456, %multiple_of3A_442] : memref<32x1000001xf32, #tpu.memory_space<hbm>> -> memref<32x128xf32, #tpu.memory_space<hbm>>
          %dma_start3A_458 = arith.constant 0 : i32
          %dma_start3A_459 = arith.constant 128 : i32
          %dma_start3A_460 = tpu.memref_slice %arg9[%dma_start3A_458, %dma_start3A_459] : memref<32x256xf32, #tpu.memory_space<vmem>> -> memref<32x128xf32, #tpu.memory_space<vmem>>
          %dma_start3A_461 = arith.constant 0 : i32
          %dma_start3A_462 = tpu.memref_slice %arg2[%dma_start3A_461, %multiple_of3A_442] : memref<32x1000001xf32, #tpu.memory_space<hbm>> -> memref<32x128xf32, #tpu.memory_space<hbm>>
          tpu.enqueue_dma source(%dma_start3A_462 : memref<32x128xf32, #tpu.memory_space<hbm>>) target(%dma_start3A_460 : memref<32x128xf32, #tpu.memory_space<vmem>>) target_semaphore(%arg16 : memref<!tpu.dma_semaphore, #tpu.memory_space<semaphore_mem>>)
        } else {
        }
        %dma_wait3A = arith.constant 0 : i32
        %dma_wait3A_258 = arith.constant 0 : i32
        %dma_wait3A_259 = tpu.memref_slice %arg2[%dma_wait3A, %dma_wait3A_258] : memref<32x1000001xf32, #tpu.memory_space<hbm>> -> memref<32x256xf32, #tpu.memory_space<hbm>>
        %dma_wait3A_260 = arith.constant 0 : i32
        %dma_wait3A_261 = arith.constant 0 : i32
        %dma_wait3A_262 = tpu.memref_slice %arg2[%dma_wait3A_260, %dma_wait3A_261] : memref<32x1000001xf32, #tpu.memory_space<hbm>> -> memref<32x256xf32, #tpu.memory_space<hbm>>
        tpu.wait_dma2 semaphore(%arg17 : memref<!tpu.dma_semaphore, #tpu.memory_space<semaphore_mem>>) src(%dma_wait3A_262 : memref<32x256xf32, #tpu.memory_space<hbm>>) dst(%arg10 : memref<32x256xf32, #tpu.memory_space<vmem>>)
        %dma_wait3A_263 = arith.constant 0 : i32
        %dma_wait3A_264 = arith.constant 0 : i32
        %dma_wait3A_265 = tpu.memref_slice %arg2[%dma_wait3A_263, %dma_wait3A_264] : memref<32x1000001xf32, #tpu.memory_space<hbm>> -> memref<32x256xf32, #tpu.memory_space<hbm>>
        %dma_wait3A_266 = arith.constant 0 : i32
        %dma_wait3A_267 = arith.constant 0 : i32
        %dma_wait3A_268 = tpu.memref_slice %arg2[%dma_wait3A_266, %dma_wait3A_267] : memref<32x1000001xf32, #tpu.memory_space<hbm>> -> memref<32x256xf32, #tpu.memory_space<hbm>>
        tpu.wait_dma2 semaphore(%arg17 : memref<!tpu.dma_semaphore, #tpu.memory_space<semaphore_mem>>) src(%dma_wait3A_268 : memref<32x256xf32, #tpu.memory_space<hbm>>) dst(%arg11 : memref<32x256xf32, #tpu.memory_space<vmem>>)
        %mul3A_269 = arith.constant 2 : i32
        %mul3A_270 = arith.muli %scan3A_235, %mul3A_269 : i32
        %get3A_271 = arith.constant 0 : i32
        %get3A_272 = arith.index_cast %get3A_271 : i32 to index
        %get3A_273 = arith.index_cast %mul3A_270 : i32 to index
        %get3A_274 = tpu.vector_load %arg5[%get3A_272, %get3A_273] {strides = array<i32>} : memref<2x544xi32, #tpu.memory_space<vmem>>, vector<16xi32>,
        %mul3A_275 = arith.constant 2 : i32
        %mul3A_276 = arith.muli %scan3A_235, %mul3A_275 : i32
        %get3A_277 = arith.constant 1 : i32
        %get3A_278 = arith.index_cast %get3A_277 : i32 to index
        %get3A_279 = arith.index_cast %mul3A_276 : i32 to index
        %get3A_280 = tpu.vector_load %arg5[%get3A_278, %get3A_279] {strides = array<i32>} : memref<2x544xi32, #tpu.memory_space<vmem>>, vector<16xi32>,
        %and3A_281 = arith.constant 127 : i32
        %and3A_282 = vector.broadcast %and3A_281 : i32 to vector<16xi32>
        %and3A_283 = arith.andi %get3A_274, %and3A_282 : vector<16xi32>
        %and3A_284 = arith.constant 127 : i32
        %and3A_285 = vector.broadcast %and3A_284 : i32 to vector<16xi32>
        %and3A_286 = arith.andi %get3A_280, %and3A_285 : vector<16xi32>
        %shift_right_arithmetic3A = arith.constant 3 : i32
        %shift_right_arithmetic3A_287 = arith.shrsi %scan3A_235, %shift_right_arithmetic3A : i32
        %mul3A_288 = arith.constant 16 : i32
        %mul3A_289 = arith.muli %shift_right_arithmetic3A_287, %mul3A_288 : i32
        %get3A_290 = arith.index_cast %mul3A_289 : i32 to index
        %get3A_291 = tpu.vector_load %arg14[%get3A_290] {strides = array<i32>} : memref<512xf32, #tpu.memory_space<vmem>>, vector<16xf32>,
        %slice3A_292 = vector.extract_strided_slice %and3A_283 {offsets = [0], sizes = [1], strides = [1]} : vector<16xi32> to vector<1xi32>
        %squeeze3A_293 = vector.extract %slice3A_292[0] : i32 from vector<1xi32>
        %broadcast_in_dim3A = vector.broadcast %squeeze3A_293 : i32 to vector<16xi32>
        %add3A_294 = arith.constant 0 : i32
        %add3A_295 = vector.broadcast %add3A_294 : i32 to vector<16xi32>
        %add3A_296 = arith.addi %broadcast_in_dim3A, %add3A_295 : vector<16xi32>
        %slice3A_297 = vector.extract_strided_slice %and3A_286 {offsets = [0], sizes = [1], strides = [1]} : vector<16xi32> to vector<1xi32>
        %squeeze3A_298 = vector.extract %slice3A_297[0] : i32 from vector<1xi32>
        %broadcast_in_dim3A_299 = vector.broadcast %squeeze3A_298 : i32 to vector<16xi32>
        %add3A_300 = arith.constant 0 : i32
        %add3A_301 = vector.broadcast %add3A_300 : i32 to vector<16xi32>
        %add3A_302 = arith.addi %broadcast_in_dim3A_299, %add3A_301 : vector<16xi32>
        %gather3A = tpu.vector_load_idx %arg10[%iota3A, %add3A_296] : memref<32x256xf32, #tpu.memory_space<vmem>>[vector<16xi32>, vector<16xi32>], vector<16xf32>,
        %add3A_303 = arith.constant 16 : i32
        %add3A_304 = vector.broadcast %add3A_303 : i32 to vector<16xi32>
        %add3A_305 = arith.addi %add3A_304, %iota3A : vector<16xi32>
        %gather3A_306 = tpu.vector_load_idx %arg10[%add3A_305, %add3A_296] : memref<32x256xf32, #tpu.memory_space<vmem>>[vector<16xi32>, vector<16xi32>], vector<16xf32>,
        %gather3A_307 = tpu.vector_load_idx %arg11[%iota3A, %add3A_302] : memref<32x256xf32, #tpu.memory_space<vmem>>[vector<16xi32>, vector<16xi32>], vector<16xf32>,
        %add3A_308 = arith.constant 16 : i32
        %add3A_309 = vector.broadcast %add3A_308 : i32 to vector<16xi32>
        %add3A_310 = arith.addi %add3A_309, %iota3A : vector<16xi32>
        %gather3A_311 = tpu.vector_load_idx %arg11[%add3A_310, %add3A_302] : memref<32x256xf32, #tpu.memory_space<vmem>>[vector<16xi32>, vector<16xi32>], vector<16xf32>,
        %mul3A_312 = arith.mulf %gather3A, %gather3A_307 : vector<16xf32>
        %mul3A_313 = arith.mulf %gather3A_306, %gather3A_311 : vector<16xf32>
        %add3A_314 = arith.addf %mul3A_312, %mul3A_313 : vector<16xf32>
        %reduce_sum3A = arith.constant true
        %reduce_sum3A_315 = vector.broadcast %reduce_sum3A : i1 to vector<16xi1>
        %reduce_sum3A_316 = tpu.scan <sum>, %add3A_314 masked %reduce_sum3A_315 : vector<16xf32>, vector<16xi1> -> vector<16xf32>
        %reduce_sum3A_317 = vector.extract %reduce_sum3A_316[15] : f32 from vector<16xf32>
        %and3A_318 = arith.constant 7 : i32
        %and3A_319 = arith.andi %scan3A_235, %and3A_318 : i32
        %mul3A_320 = arith.constant 2 : i32
        %mul3A_321 = arith.muli %and3A_319, %mul3A_320 : i32
        %add3A_322 = arith.constant 0 : i32
        %add3A_323 = arith.addi %mul3A_321, %add3A_322 : i32
        %eq3A_324 = vector.broadcast %add3A_323 : i32 to vector<16xi32>
        %eq3A_325 = arith.cmpi eq, %iota3A, %eq3A_324 : vector<16xi32>
        %broadcast_in_dim3A_326 = vector.broadcast %reduce_sum3A_317 : f32 to vector<16xf32>
        %select_n3A = arith.select %eq3A_325, %broadcast_in_dim3A_326, %get3A_291 : vector<16xi1>, vector<16xf32>
        %slice3A_327 = vector.extract_strided_slice %and3A_283 {offsets = [1], sizes = [1], strides = [1]} : vector<16xi32> to vector<1xi32>
        %squeeze3A_328 = vector.extract %slice3A_327[0] : i32 from vector<1xi32>
        %broadcast_in_dim3A_329 = vector.broadcast %squeeze3A_328 : i32 to vector<16xi32>
        %add3A_330 = arith.constant 128 : i32
        %add3A_331 = vector.broadcast %add3A_330 : i32 to vector<16xi32>
        %add3A_332 = arith.addi %broadcast_in_dim3A_329, %add3A_331 : vector<16xi32>
        %slice3A_333 = vector.extract_strided_slice %and3A_286 {offsets = [1], sizes = [1], strides = [1]} : vector<16xi32> to vector<1xi32>
        %squeeze3A_334 = vector.extract %slice3A_333[0] : i32 from vector<1xi32>
        %broadcast_in_dim3A_335 = vector.broadcast %squeeze3A_334 : i32 to vector<16xi32>
        %add3A_336 = arith.constant 128 : i32
        %add3A_337 = vector.broadcast %add3A_336 : i32 to vector<16xi32>
        %add3A_338 = arith.addi %broadcast_in_dim3A_335, %add3A_337 : vector<16xi32>
        %gather3A_339 = tpu.vector_load_idx %arg10[%iota3A, %add3A_332] : memref<32x256xf32, #tpu.memory_space<vmem>>[vector<16xi32>, vector<16xi32>], vector<16xf32>,
        %add3A_340 = arith.constant 16 : i32
        %add3A_341 = vector.broadcast %add3A_340 : i32 to vector<16xi32>
        %add3A_342 = arith.addi %add3A_341, %iota3A : vector<16xi32>
        %gather3A_343 = tpu.vector_load_idx %arg10[%add3A_342, %add3A_332] : memref<32x256xf32, #tpu.memory_space<vmem>>[vector<16xi32>, vector<16xi32>], vector<16xf32>,
        %gather3A_344 = tpu.vector_load_idx %arg11[%iota3A, %add3A_338] : memref<32x256xf32, #tpu.memory_space<vmem>>[vector<16xi32>, vector<16xi32>], vector<16xf32>,
        %add3A_345 = arith.constant 16 : i32
        %add3A_346 = vector.broadcast %add3A_345 : i32 to vector<16xi32>
        %add3A_347 = arith.addi %add3A_346, %iota3A : vector<16xi32>
        %gather3A_348 = tpu.vector_load_idx %arg11[%add3A_347, %add3A_338] : memref<32x256xf32, #tpu.memory_space<vmem>>[vector<16xi32>, vector<16xi32>], vector<16xf32>,
        %mul3A_349 = arith.mulf %gather3A_339, %gather3A_344 : vector<16xf32>
        %mul3A_350 = arith.mulf %gather3A_343, %gather3A_348 : vector<16xf32>
        %add3A_351 = arith.addf %mul3A_349, %mul3A_350 : vector<16xf32>
        %reduce_sum3A_352 = arith.constant true
        %reduce_sum3A_353 = vector.broadcast %reduce_sum3A_352 : i1 to vector<16xi1>
        %reduce_sum3A_354 = tpu.scan <sum>, %add3A_351 masked %reduce_sum3A_353 : vector<16xf32>, vector<16xi1> -> vector<16xf32>
        %reduce_sum3A_355 = vector.extract %reduce_sum3A_354[15] : f32 from vector<16xf32>
        %and3A_356 = arith.constant 7 : i32
        %and3A_357 = arith.andi %scan3A_235, %and3A_356 : i32
        %mul3A_358 = arith.constant 2 : i32
        %mul3A_359 = arith.muli %and3A_357, %mul3A_358 : i32
        %add3A_360 = arith.constant 1 : i32
        %add3A_361 = arith.addi %mul3A_359, %add3A_360 : i32
        %eq3A_362 = vector.broadcast %add3A_361 : i32 to vector<16xi32>
        %eq3A_363 = arith.cmpi eq, %iota3A, %eq3A_362 : vector<16xi32>
        %broadcast_in_dim3A_364 = vector.broadcast %reduce_sum3A_355 : f32 to vector<16xf32>
        %select_n3A_365 = arith.select %eq3A_363, %broadcast_in_dim3A_364, %select_n3A : vector<16xi1>, vector<16xf32>
        %shift_right_arithmetic3A_366 = arith.constant 3 : i32
        %shift_right_arithmetic3A_367 = arith.shrsi %scan3A_235, %shift_right_arithmetic3A_366 : i32
        %mul3A_368 = arith.constant 16 : i32
        %mul3A_369 = arith.muli %shift_right_arithmetic3A_367, %mul3A_368 : i32
        %swap3A = arith.index_cast %mul3A_369 : i32 to index
        %swap3A_370 = tpu.vector_load %arg14[%swap3A] {strides = array<i32>} : memref<512xf32, #tpu.memory_space<vmem>>, vector<16xf32>,
        tpu.vector_store %arg14[%swap3A], %select_n3A_365 {strides = array<i32>} : memref<512xf32, #tpu.memory_space<vmem>>, vector<16xf32>,
        %and3A_371 = arith.constant 7 : i32
        %and3A_372 = arith.andi %scan3A_235, %and3A_371 : i32
        %eq3A_373 = arith.constant 7 : i32
        %eq3A_374 = arith.cmpi eq, %and3A_372, %eq3A_373 : i32
        %convert_element_type3A_375 = arith.extui %eq3A_374 : i1 to i32
        %cond3A_376 = arith.constant 0 : i32
        %cond3A_377 = arith.cmpi ne, %convert_element_type3A_375, %cond3A_376 : i32
        scf.if %cond3A_377 {
          %neg3A = arith.constant 0.000000e+00 : f32
          %neg3A_378 = vector.broadcast %neg3A : f32 to vector<16xf32>
          %neg3A_379 = arith.subf %neg3A_378, %select_n3A_365 : vector<16xf32>
          %exp3A = math.exp %neg3A_379 : vector<16xf32>
          %add3A_380 = arith.constant 1.000000e+00 : f32
          %add3A_381 = vector.broadcast %add3A_380 : f32 to vector<16xf32>
          %add3A_382 = arith.addf %add3A_381, %exp3A : vector<16xf32>
          %div3A = arith.constant 1.000000e+00 : f32
          %div3A_383 = vector.broadcast %div3A : f32 to vector<16xf32>
          %div3A_384 = arith.divf %div3A_383, %add3A_382 : vector<16xf32>
          %shift_right_arithmetic3A_385 = arith.constant 3 : i32
          %shift_right_arithmetic3A_386 = arith.shrsi %scan3A_235, %shift_right_arithmetic3A_385 : i32
          %mul3A_387 = arith.constant 16 : i32
          %mul3A_388 = arith.muli %shift_right_arithmetic3A_386, %mul3A_387 : i32
          %swap3A_389 = arith.index_cast %mul3A_388 : i32 to index
          %swap3A_390 = tpu.vector_load %arg14[%swap3A_389] {strides = array<i32>} : memref<512xf32, #tpu.memory_space<vmem>>, vector<16xf32>,
          tpu.vector_store %arg14[%swap3A_389], %div3A_384 {strides = array<i32>} : memref<512xf32, #tpu.memory_space<vmem>>, vector<16xf32>,
        } else {
        }
      } else {
      }
      %eq3A_249 = arith.constant 3 : i32
      %eq3A_250 = arith.cmpi eq, %and3A_236, %eq3A_249 : i32
      %convert_element_type3A_251 = arith.extui %eq3A_250 : i1 to i32
      %cond3A_252 = arith.constant 0 : i32
      %cond3A_253 = arith.cmpi ne, %convert_element_type3A_251, %cond3A_252 : i32
      scf.if %cond3A_253 {
        %lt3A = arith.constant 253 : i32
        %lt3A_254 = arith.cmpi slt, %scan3A_235, %lt3A : i32
        %convert_element_type3A_255 = arith.extui %lt3A_254 : i1 to i32
        %cond3A_256 = arith.constant 0 : i32
        %cond3A_257 = arith.cmpi ne, %convert_element_type3A_255, %cond3A_256 : i32
        scf.if %cond3A_257 {
          %add3A_378 = arith.constant 4 : i32
          %add3A_379 = arith.addi %scan3A_235, %add3A_378 : i32
          %sub3A = arith.constant 1 : i32
          %sub3A_380 = arith.subi %add3A_379, %sub3A : i32
          %mul3A_381 = arith.constant 2 : i32
          %mul3A_382 = arith.muli %sub3A_380, %mul3A_381 : i32
          %get3A_383 = arith.constant 0 : i32
          %get3A_384 = arith.index_cast %get3A_383 : i32 to index
          %get3A_385 = arith.index_cast %mul3A_382 : i32 to index
          %get3A_386 = tpu.vector_load %arg5[%get3A_384, %get3A_385] {strides = array<i32>} : memref<2x544xi32, #tpu.memory_space<vmem>>, vector<16xi32>,
          %mul3A_387 = arith.constant 2 : i32
          %mul3A_388 = arith.muli %sub3A_380, %mul3A_387 : i32
          %get3A_389 = arith.constant 1 : i32
          %get3A_390 = arith.index_cast %get3A_389 : i32 to index
          %get3A_391 = arith.index_cast %mul3A_388 : i32 to index
          %get3A_392 = tpu.vector_load %arg5[%get3A_390, %get3A_391] {strides = array<i32>} : memref<2x544xi32, #tpu.memory_space<vmem>>, vector<16xi32>,
          %shift_right_logical3A_393 = arith.constant 7 : i32
          %shift_right_logical3A_394 = vector.broadcast %shift_right_logical3A_393 : i32 to vector<16xi32>
          %shift_right_logical3A_395 = arith.shrui %get3A_386, %shift_right_logical3A_394 : vector<16xi32>
          %min3A_396 = arith.constant 7812 : i32
          %min3A_397 = vector.broadcast %min3A_396 : i32 to vector<16xi32>
          %min3A_398 = arith.minsi %shift_right_logical3A_395, %min3A_397 : vector<16xi32>
          %mul3A_399 = arith.constant 128 : i32
          %mul3A_400 = vector.broadcast %mul3A_399 : i32 to vector<16xi32>
          %mul3A_401 = arith.muli %mul3A_400, %min3A_398 : vector<16xi32>
          %shift_right_logical3A_402 = arith.constant 7 : i32
          %shift_right_logical3A_403 = vector.broadcast %shift_right_logical3A_402 : i32 to vector<16xi32>
          %shift_right_logical3A_404 = arith.shrui %get3A_392, %shift_right_logical3A_403 : vector<16xi32>
          %min3A_405 = arith.constant 7812 : i32
          %min3A_406 = vector.broadcast %min3A_405 : i32 to vector<16xi32>
          %min3A_407 = arith.minsi %shift_right_logical3A_404, %min3A_406 : vector<16xi32>
          %mul3A_408 = arith.constant 128 : i32
          %mul3A_409 = vector.broadcast %mul3A_408 : i32 to vector<16xi32>
          %mul3A_410 = arith.muli %mul3A_409, %min3A_407 : vector<16xi32>
          %slice3A_411 = vector.extract_strided_slice %mul3A_401 {offsets = [0], sizes = [1], strides = [1]} : vector<16xi32> to vector<1xi32>
          %squeeze3A_412 = vector.extract %slice3A_411[0] : i32 from vector<1xi32>
          %multiple_of3A_413 = tpu.assume_multiple %squeeze3A_412, 128 : i32
          %slice3A_414 = vector.extract_strided_slice %mul3A_410 {offsets = [0], sizes = [1], strides = [1]} : vector<16xi32> to vector<1xi32>
          %squeeze3A_415 = vector.extract %slice3A_414[0] : i32 from vector<1xi32>
          %multiple_of3A_416 = tpu.assume_multiple %squeeze3A_415, 128 : i32
          %dma_start3A_417 = arith.constant 0 : i32
          %dma_start3A_418 = arith.constant 0 : i32
          %dma_start3A_419 = tpu.memref_slice %arg10[%dma_start3A_417, %dma_start3A_418] : memref<32x256xf32, #tpu.memory_space<vmem>> -> memref<32x128xf32, #tpu.memory_space<vmem>>
          %dma_start3A_420 = arith.constant 0 : i32
          %dma_start3A_421 = tpu.memref_slice %arg2[%dma_start3A_420, %multiple_of3A_413] : memref<32x1000001xf32, #tpu.memory_space<hbm>> -> memref<32x128xf32, #tpu.memory_space<hbm>>
          %dma_start3A_422 = arith.constant 0 : i32
          %dma_start3A_423 = arith.constant 0 : i32
          %dma_start3A_424 = tpu.memref_slice %arg10[%dma_start3A_422, %dma_start3A_423] : memref<32x256xf32, #tpu.memory_space<vmem>> -> memref<32x128xf32, #tpu.memory_space<vmem>>
          %dma_start3A_425 = arith.constant 0 : i32
          %dma_start3A_426 = tpu.memref_slice %arg2[%dma_start3A_425, %multiple_of3A_413] : memref<32x1000001xf32, #tpu.memory_space<hbm>> -> memref<32x128xf32, #tpu.memory_space<hbm>>
          tpu.enqueue_dma source(%dma_start3A_426 : memref<32x128xf32, #tpu.memory_space<hbm>>) target(%dma_start3A_424 : memref<32x128xf32, #tpu.memory_space<vmem>>) target_semaphore(%arg17 : memref<!tpu.dma_semaphore, #tpu.memory_space<semaphore_mem>>)
          %dma_start3A_427 = arith.constant 0 : i32
          %dma_start3A_428 = arith.constant 0 : i32
          %dma_start3A_429 = tpu.memref_slice %arg11[%dma_start3A_427, %dma_start3A_428] : memref<32x256xf32, #tpu.memory_space<vmem>> -> memref<32x128xf32, #tpu.memory_space<vmem>>
          %dma_start3A_430 = arith.constant 0 : i32
          %dma_start3A_431 = tpu.memref_slice %arg2[%dma_start3A_430, %multiple_of3A_416] : memref<32x1000001xf32, #tpu.memory_space<hbm>> -> memref<32x128xf32, #tpu.memory_space<hbm>>
          %dma_start3A_432 = arith.constant 0 : i32
          %dma_start3A_433 = arith.constant 0 : i32
          %dma_start3A_434 = tpu.memref_slice %arg11[%dma_start3A_432, %dma_start3A_433] : memref<32x256xf32, #tpu.memory_space<vmem>> -> memref<32x128xf32, #tpu.memory_space<vmem>>
          %dma_start3A_435 = arith.constant 0 : i32
          %dma_start3A_436 = tpu.memref_slice %arg2[%dma_start3A_435, %multiple_of3A_416] : memref<32x1000001xf32, #tpu.memory_space<hbm>> -> memref<32x128xf32, #tpu.memory_space<hbm>>
          tpu.enqueue_dma source(%dma_start3A_436 : memref<32x128xf32, #tpu.memory_space<hbm>>) target(%dma_start3A_434 : memref<32x128xf32, #tpu.memory_space<vmem>>) target_semaphore(%arg17 : memref<!tpu.dma_semaphore, #tpu.memory_space<semaphore_mem>>)
          %slice3A_437 = vector.extract_strided_slice %mul3A_401 {offsets = [1], sizes = [1], strides = [1]} : vector<16xi32> to vector<1xi32>
          %squeeze3A_438 = vector.extract %slice3A_437[0] : i32 from vector<1xi32>
          %multiple_of3A_439 = tpu.assume_multiple %squeeze3A_438, 128 : i32
          %slice3A_440 = vector.extract_strided_slice %mul3A_410 {offsets = [1], sizes = [1], strides = [1]} : vector<16xi32> to vector<1xi32>
          %squeeze3A_441 = vector.extract %slice3A_440[0] : i32 from vector<1xi32>
          %multiple_of3A_442 = tpu.assume_multiple %squeeze3A_441, 128 : i32
          %dma_start3A_443 = arith.constant 0 : i32
          %dma_start3A_444 = arith.constant 128 : i32
          %dma_start3A_445 = tpu.memref_slice %arg10[%dma_start3A_443, %dma_start3A_444] : memref<32x256xf32, #tpu.memory_space<vmem>> -> memref<32x128xf32, #tpu.memory_space<vmem>>
          %dma_start3A_446 = arith.constant 0 : i32
          %dma_start3A_447 = tpu.memref_slice %arg2[%dma_start3A_446, %multiple_of3A_439] : memref<32x1000001xf32, #tpu.memory_space<hbm>> -> memref<32x128xf32, #tpu.memory_space<hbm>>
          %dma_start3A_448 = arith.constant 0 : i32
          %dma_start3A_449 = arith.constant 128 : i32
          %dma_start3A_450 = tpu.memref_slice %arg10[%dma_start3A_448, %dma_start3A_449] : memref<32x256xf32, #tpu.memory_space<vmem>> -> memref<32x128xf32, #tpu.memory_space<vmem>>
          %dma_start3A_451 = arith.constant 0 : i32
          %dma_start3A_452 = tpu.memref_slice %arg2[%dma_start3A_451, %multiple_of3A_439] : memref<32x1000001xf32, #tpu.memory_space<hbm>> -> memref<32x128xf32, #tpu.memory_space<hbm>>
          tpu.enqueue_dma source(%dma_start3A_452 : memref<32x128xf32, #tpu.memory_space<hbm>>) target(%dma_start3A_450 : memref<32x128xf32, #tpu.memory_space<vmem>>) target_semaphore(%arg17 : memref<!tpu.dma_semaphore, #tpu.memory_space<semaphore_mem>>)
          %dma_start3A_453 = arith.constant 0 : i32
          %dma_start3A_454 = arith.constant 128 : i32
          %dma_start3A_455 = tpu.memref_slice %arg11[%dma_start3A_453, %dma_start3A_454] : memref<32x256xf32, #tpu.memory_space<vmem>> -> memref<32x128xf32, #tpu.memory_space<vmem>>
          %dma_start3A_456 = arith.constant 0 : i32
          %dma_start3A_457 = tpu.memref_slice %arg2[%dma_start3A_456, %multiple_of3A_442] : memref<32x1000001xf32, #tpu.memory_space<hbm>> -> memref<32x128xf32, #tpu.memory_space<hbm>>
          %dma_start3A_458 = arith.constant 0 : i32
          %dma_start3A_459 = arith.constant 128 : i32
          %dma_start3A_460 = tpu.memref_slice %arg11[%dma_start3A_458, %dma_start3A_459] : memref<32x256xf32, #tpu.memory_space<vmem>> -> memref<32x128xf32, #tpu.memory_space<vmem>>
          %dma_start3A_461 = arith.constant 0 : i32
          %dma_start3A_462 = tpu.memref_slice %arg2[%dma_start3A_461, %multiple_of3A_442] : memref<32x1000001xf32, #tpu.memory_space<hbm>> -> memref<32x128xf32, #tpu.memory_space<hbm>>
          tpu.enqueue_dma source(%dma_start3A_462 : memref<32x128xf32, #tpu.memory_space<hbm>>) target(%dma_start3A_460 : memref<32x128xf32, #tpu.memory_space<vmem>>) target_semaphore(%arg17 : memref<!tpu.dma_semaphore, #tpu.memory_space<semaphore_mem>>)
        } else {
        }
        %dma_wait3A = arith.constant 0 : i32
        %dma_wait3A_258 = arith.constant 0 : i32
        %dma_wait3A_259 = tpu.memref_slice %arg2[%dma_wait3A, %dma_wait3A_258] : memref<32x1000001xf32, #tpu.memory_space<hbm>> -> memref<32x256xf32, #tpu.memory_space<hbm>>
        %dma_wait3A_260 = arith.constant 0 : i32
        %dma_wait3A_261 = arith.constant 0 : i32
        %dma_wait3A_262 = tpu.memref_slice %arg2[%dma_wait3A_260, %dma_wait3A_261] : memref<32x1000001xf32, #tpu.memory_space<hbm>> -> memref<32x256xf32, #tpu.memory_space<hbm>>
        tpu.wait_dma2 semaphore(%arg18 : memref<!tpu.dma_semaphore, #tpu.memory_space<semaphore_mem>>) src(%dma_wait3A_262 : memref<32x256xf32, #tpu.memory_space<hbm>>) dst(%arg12 : memref<32x256xf32, #tpu.memory_space<vmem>>)
        %dma_wait3A_263 = arith.constant 0 : i32
        %dma_wait3A_264 = arith.constant 0 : i32
        %dma_wait3A_265 = tpu.memref_slice %arg2[%dma_wait3A_263, %dma_wait3A_264] : memref<32x1000001xf32, #tpu.memory_space<hbm>> -> memref<32x256xf32, #tpu.memory_space<hbm>>
        %dma_wait3A_266 = arith.constant 0 : i32
        %dma_wait3A_267 = arith.constant 0 : i32
        %dma_wait3A_268 = tpu.memref_slice %arg2[%dma_wait3A_266, %dma_wait3A_267] : memref<32x1000001xf32, #tpu.memory_space<hbm>> -> memref<32x256xf32, #tpu.memory_space<hbm>>
        tpu.wait_dma2 semaphore(%arg18 : memref<!tpu.dma_semaphore, #tpu.memory_space<semaphore_mem>>) src(%dma_wait3A_268 : memref<32x256xf32, #tpu.memory_space<hbm>>) dst(%arg13 : memref<32x256xf32, #tpu.memory_space<vmem>>)
        %mul3A_269 = arith.constant 2 : i32
        %mul3A_270 = arith.muli %scan3A_235, %mul3A_269 : i32
        %get3A_271 = arith.constant 0 : i32
        %get3A_272 = arith.index_cast %get3A_271 : i32 to index
        %get3A_273 = arith.index_cast %mul3A_270 : i32 to index
        %get3A_274 = tpu.vector_load %arg5[%get3A_272, %get3A_273] {strides = array<i32>} : memref<2x544xi32, #tpu.memory_space<vmem>>, vector<16xi32>,
        %mul3A_275 = arith.constant 2 : i32
        %mul3A_276 = arith.muli %scan3A_235, %mul3A_275 : i32
        %get3A_277 = arith.constant 1 : i32
        %get3A_278 = arith.index_cast %get3A_277 : i32 to index
        %get3A_279 = arith.index_cast %mul3A_276 : i32 to index
        %get3A_280 = tpu.vector_load %arg5[%get3A_278, %get3A_279] {strides = array<i32>} : memref<2x544xi32, #tpu.memory_space<vmem>>, vector<16xi32>,
        %and3A_281 = arith.constant 127 : i32
        %and3A_282 = vector.broadcast %and3A_281 : i32 to vector<16xi32>
        %and3A_283 = arith.andi %get3A_274, %and3A_282 : vector<16xi32>
        %and3A_284 = arith.constant 127 : i32
        %and3A_285 = vector.broadcast %and3A_284 : i32 to vector<16xi32>
        %and3A_286 = arith.andi %get3A_280, %and3A_285 : vector<16xi32>
        %shift_right_arithmetic3A = arith.constant 3 : i32
        %shift_right_arithmetic3A_287 = arith.shrsi %scan3A_235, %shift_right_arithmetic3A : i32
        %mul3A_288 = arith.constant 16 : i32
        %mul3A_289 = arith.muli %shift_right_arithmetic3A_287, %mul3A_288 : i32
        %get3A_290 = arith.index_cast %mul3A_289 : i32 to index
        %get3A_291 = tpu.vector_load %arg14[%get3A_290] {strides = array<i32>} : memref<512xf32, #tpu.memory_space<vmem>>, vector<16xf32>,
        %slice3A_292 = vector.extract_strided_slice %and3A_283 {offsets = [0], sizes = [1], strides = [1]} : vector<16xi32> to vector<1xi32>
        %squeeze3A_293 = vector.extract %slice3A_292[0] : i32 from vector<1xi32>
        %broadcast_in_dim3A = vector.broadcast %squeeze3A_293 : i32 to vector<16xi32>
        %add3A_294 = arith.constant 0 : i32
        %add3A_295 = vector.broadcast %add3A_294 : i32 to vector<16xi32>
        %add3A_296 = arith.addi %broadcast_in_dim3A, %add3A_295 : vector<16xi32>
        %slice3A_297 = vector.extract_strided_slice %and3A_286 {offsets = [0], sizes = [1], strides = [1]} : vector<16xi32> to vector<1xi32>
        %squeeze3A_298 = vector.extract %slice3A_297[0] : i32 from vector<1xi32>
        %broadcast_in_dim3A_299 = vector.broadcast %squeeze3A_298 : i32 to vector<16xi32>
        %add3A_300 = arith.constant 0 : i32
        %add3A_301 = vector.broadcast %add3A_300 : i32 to vector<16xi32>
        %add3A_302 = arith.addi %broadcast_in_dim3A_299, %add3A_301 : vector<16xi32>
        %gather3A = tpu.vector_load_idx %arg12[%iota3A, %add3A_296] : memref<32x256xf32, #tpu.memory_space<vmem>>[vector<16xi32>, vector<16xi32>], vector<16xf32>,
        %add3A_303 = arith.constant 16 : i32
        %add3A_304 = vector.broadcast %add3A_303 : i32 to vector<16xi32>
        %add3A_305 = arith.addi %add3A_304, %iota3A : vector<16xi32>
        %gather3A_306 = tpu.vector_load_idx %arg12[%add3A_305, %add3A_296] : memref<32x256xf32, #tpu.memory_space<vmem>>[vector<16xi32>, vector<16xi32>], vector<16xf32>,
        %gather3A_307 = tpu.vector_load_idx %arg13[%iota3A, %add3A_302] : memref<32x256xf32, #tpu.memory_space<vmem>>[vector<16xi32>, vector<16xi32>], vector<16xf32>,
        %add3A_308 = arith.constant 16 : i32
        %add3A_309 = vector.broadcast %add3A_308 : i32 to vector<16xi32>
        %add3A_310 = arith.addi %add3A_309, %iota3A : vector<16xi32>
        %gather3A_311 = tpu.vector_load_idx %arg13[%add3A_310, %add3A_302] : memref<32x256xf32, #tpu.memory_space<vmem>>[vector<16xi32>, vector<16xi32>], vector<16xf32>,
        %mul3A_312 = arith.mulf %gather3A, %gather3A_307 : vector<16xf32>
        %mul3A_313 = arith.mulf %gather3A_306, %gather3A_311 : vector<16xf32>
        %add3A_314 = arith.addf %mul3A_312, %mul3A_313 : vector<16xf32>
        %reduce_sum3A = arith.constant true
        %reduce_sum3A_315 = vector.broadcast %reduce_sum3A : i1 to vector<16xi1>
        %reduce_sum3A_316 = tpu.scan <sum>, %add3A_314 masked %reduce_sum3A_315 : vector<16xf32>, vector<16xi1> -> vector<16xf32>
        %reduce_sum3A_317 = vector.extract %reduce_sum3A_316[15] : f32 from vector<16xf32>
        %and3A_318 = arith.constant 7 : i32
        %and3A_319 = arith.andi %scan3A_235, %and3A_318 : i32
        %mul3A_320 = arith.constant 2 : i32
        %mul3A_321 = arith.muli %and3A_319, %mul3A_320 : i32
        %add3A_322 = arith.constant 0 : i32
        %add3A_323 = arith.addi %mul3A_321, %add3A_322 : i32
        %eq3A_324 = vector.broadcast %add3A_323 : i32 to vector<16xi32>
        %eq3A_325 = arith.cmpi eq, %iota3A, %eq3A_324 : vector<16xi32>
        %broadcast_in_dim3A_326 = vector.broadcast %reduce_sum3A_317 : f32 to vector<16xf32>
        %select_n3A = arith.select %eq3A_325, %broadcast_in_dim3A_326, %get3A_291 : vector<16xi1>, vector<16xf32>
        %slice3A_327 = vector.extract_strided_slice %and3A_283 {offsets = [1], sizes = [1], strides = [1]} : vector<16xi32> to vector<1xi32>
        %squeeze3A_328 = vector.extract %slice3A_327[0] : i32 from vector<1xi32>
        %broadcast_in_dim3A_329 = vector.broadcast %squeeze3A_328 : i32 to vector<16xi32>
        %add3A_330 = arith.constant 128 : i32
        %add3A_331 = vector.broadcast %add3A_330 : i32 to vector<16xi32>
        %add3A_332 = arith.addi %broadcast_in_dim3A_329, %add3A_331 : vector<16xi32>
        %slice3A_333 = vector.extract_strided_slice %and3A_286 {offsets = [1], sizes = [1], strides = [1]} : vector<16xi32> to vector<1xi32>
        %squeeze3A_334 = vector.extract %slice3A_333[0] : i32 from vector<1xi32>
        %broadcast_in_dim3A_335 = vector.broadcast %squeeze3A_334 : i32 to vector<16xi32>
        %add3A_336 = arith.constant 128 : i32
        %add3A_337 = vector.broadcast %add3A_336 : i32 to vector<16xi32>
        %add3A_338 = arith.addi %broadcast_in_dim3A_335, %add3A_337 : vector<16xi32>
        %gather3A_339 = tpu.vector_load_idx %arg12[%iota3A, %add3A_332] : memref<32x256xf32, #tpu.memory_space<vmem>>[vector<16xi32>, vector<16xi32>], vector<16xf32>,
        %add3A_340 = arith.constant 16 : i32
        %add3A_341 = vector.broadcast %add3A_340 : i32 to vector<16xi32>
        %add3A_342 = arith.addi %add3A_341, %iota3A : vector<16xi32>
        %gather3A_343 = tpu.vector_load_idx %arg12[%add3A_342, %add3A_332] : memref<32x256xf32, #tpu.memory_space<vmem>>[vector<16xi32>, vector<16xi32>], vector<16xf32>,
        %gather3A_344 = tpu.vector_load_idx %arg13[%iota3A, %add3A_338] : memref<32x256xf32, #tpu.memory_space<vmem>>[vector<16xi32>, vector<16xi32>], vector<16xf32>,
        %add3A_345 = arith.constant 16 : i32
        %add3A_346 = vector.broadcast %add3A_345 : i32 to vector<16xi32>
        %add3A_347 = arith.addi %add3A_346, %iota3A : vector<16xi32>
        %gather3A_348 = tpu.vector_load_idx %arg13[%add3A_347, %add3A_338] : memref<32x256xf32, #tpu.memory_space<vmem>>[vector<16xi32>, vector<16xi32>], vector<16xf32>,
        %mul3A_349 = arith.mulf %gather3A_339, %gather3A_344 : vector<16xf32>
        %mul3A_350 = arith.mulf %gather3A_343, %gather3A_348 : vector<16xf32>
        %add3A_351 = arith.addf %mul3A_349, %mul3A_350 : vector<16xf32>
        %reduce_sum3A_352 = arith.constant true
        %reduce_sum3A_353 = vector.broadcast %reduce_sum3A_352 : i1 to vector<16xi1>
        %reduce_sum3A_354 = tpu.scan <sum>, %add3A_351 masked %reduce_sum3A_353 : vector<16xf32>, vector<16xi1> -> vector<16xf32>
        %reduce_sum3A_355 = vector.extract %reduce_sum3A_354[15] : f32 from vector<16xf32>
        %and3A_356 = arith.constant 7 : i32
        %and3A_357 = arith.andi %scan3A_235, %and3A_356 : i32
        %mul3A_358 = arith.constant 2 : i32
        %mul3A_359 = arith.muli %and3A_357, %mul3A_358 : i32
        %add3A_360 = arith.constant 1 : i32
        %add3A_361 = arith.addi %mul3A_359, %add3A_360 : i32
        %eq3A_362 = vector.broadcast %add3A_361 : i32 to vector<16xi32>
        %eq3A_363 = arith.cmpi eq, %iota3A, %eq3A_362 : vector<16xi32>
        %broadcast_in_dim3A_364 = vector.broadcast %reduce_sum3A_355 : f32 to vector<16xf32>
        %select_n3A_365 = arith.select %eq3A_363, %broadcast_in_dim3A_364, %select_n3A : vector<16xi1>, vector<16xf32>
        %shift_right_arithmetic3A_366 = arith.constant 3 : i32
        %shift_right_arithmetic3A_367 = arith.shrsi %scan3A_235, %shift_right_arithmetic3A_366 : i32
        %mul3A_368 = arith.constant 16 : i32
        %mul3A_369 = arith.muli %shift_right_arithmetic3A_367, %mul3A_368 : i32
        %swap3A = arith.index_cast %mul3A_369 : i32 to index
        %swap3A_370 = tpu.vector_load %arg14[%swap3A] {strides = array<i32>} : memref<512xf32, #tpu.memory_space<vmem>>, vector<16xf32>,
        tpu.vector_store %arg14[%swap3A], %select_n3A_365 {strides = array<i32>} : memref<512xf32, #tpu.memory_space<vmem>>, vector<16xf32>,
        %and3A_371 = arith.constant 7 : i32
        %and3A_372 = arith.andi %scan3A_235, %and3A_371 : i32
        %eq3A_373 = arith.constant 7 : i32
        %eq3A_374 = arith.cmpi eq, %and3A_372, %eq3A_373 : i32
        %convert_element_type3A_375 = arith.extui %eq3A_374 : i1 to i32
        %cond3A_376 = arith.constant 0 : i32
        %cond3A_377 = arith.cmpi ne, %convert_element_type3A_375, %cond3A_376 : i32
        scf.if %cond3A_377 {
          %neg3A = arith.constant 0.000000e+00 : f32
          %neg3A_378 = vector.broadcast %neg3A : f32 to vector<16xf32>
          %neg3A_379 = arith.subf %neg3A_378, %select_n3A_365 : vector<16xf32>
          %exp3A = math.exp %neg3A_379 : vector<16xf32>
          %add3A_380 = arith.constant 1.000000e+00 : f32
          %add3A_381 = vector.broadcast %add3A_380 : f32 to vector<16xf32>
          %add3A_382 = arith.addf %add3A_381, %exp3A : vector<16xf32>
          %div3A = arith.constant 1.000000e+00 : f32
          %div3A_383 = vector.broadcast %div3A : f32 to vector<16xf32>
          %div3A_384 = arith.divf %div3A_383, %add3A_382 : vector<16xf32>
          %shift_right_arithmetic3A_385 = arith.constant 3 : i32
          %shift_right_arithmetic3A_386 = arith.shrsi %scan3A_235, %shift_right_arithmetic3A_385 : i32
          %mul3A_387 = arith.constant 16 : i32
          %mul3A_388 = arith.muli %shift_right_arithmetic3A_386, %mul3A_387 : i32
          %swap3A_389 = arith.index_cast %mul3A_388 : i32 to index
          %swap3A_390 = tpu.vector_load %arg14[%swap3A_389] {strides = array<i32>} : memref<512xf32, #tpu.memory_space<vmem>>, vector<16xf32>,
          tpu.vector_store %arg14[%swap3A_389], %div3A_384 {strides = array<i32>} : memref<512xf32, #tpu.memory_space<vmem>>, vector<16xf32>,
        } else {
        }
      } else {
      }
    }
    %scan3A_232 = arith.constant 256 : i32
    %mul3A_233 = arith.constant 512 : i32
    %mul3A_234 = arith.muli %add3A, %mul3A_233 : i32
    "tpu.region"() ({
      %run_scoped3A = tpu.sem_alloc : memref<!tpu.dma_semaphore, #tpu.memory_space<semaphore_mem>>
      %dma_start3A_235 = tpu.memref_slice %arg4[%mul3A_234] : memref<16384xf32, #tpu.memory_space<hbm>> -> memref<512xf32, #tpu.memory_space<hbm>>
      %dma_start3A_236 = tpu.memref_slice %arg4[%mul3A_234] : memref<16384xf32, #tpu.memory_space<hbm>> -> memref<512xf32, #tpu.memory_space<hbm>>
      tpu.enqueue_dma source(%arg14 : memref<512xf32, #tpu.memory_space<vmem>>) target(%dma_start3A_236 : memref<512xf32, #tpu.memory_space<hbm>>) target_semaphore(%run_scoped3A : memref<!tpu.dma_semaphore, #tpu.memory_space<semaphore_mem>>)
      %dma_wait3A = tpu.memref_slice %arg4[%mul3A_234] : memref<16384xf32, #tpu.memory_space<hbm>> -> memref<512xf32, #tpu.memory_space<hbm>>
      %dma_wait3A_237 = tpu.memref_slice %arg4[%mul3A_234] : memref<16384xf32, #tpu.memory_space<hbm>> -> memref<512xf32, #tpu.memory_space<hbm>>
      tpu.wait_dma2 semaphore(%run_scoped3A : memref<!tpu.dma_semaphore, #tpu.memory_space<semaphore_mem>>) src(%arg14 : memref<512xf32, #tpu.memory_space<vmem>>) dst(%dma_wait3A_237 : memref<512xf32, #tpu.memory_space<hbm>>)
      tpu.yield
    }) : () -> ()
    return
  }
}

</mosaic_0001>

<sc_bundles>
// kernel: kernel.3.cloned.1.call-start
scs
__scs_entry_jumppad:
0x0: {  	(pc) =	sbr.rel $0x88, $3  }
0x1: {  	(tag) =	ssettag $0x0;
	lr =	simm.s32 $0x1  }
0x2: {  	[smem:$0x3F9E] =	sst lr;
	_ =	strace $0xD0000000  }
0x3: {  	_ = 	snop  }
0x4: {  	_ = 	snop  }
0x5: {  	_ = 	snop  }
0x6: {  	_ = 	snop  }
0x7: {  	_ = 	snop  }
__scs_overlays_trampoline_lowered:
0x8: {  	[smem:$0x3FAD] =	sst s0  }
0x9: {  	[smem:$0x3FAE] =	sst s1  }
0xa: {  	[smem:$0x3FAF] =	sst s2  }
0xb: {  	[smem:$0x3FB0] =	sst s3  }
0xc: {  	[smem:$0x3FB1] =	sst s4  }
0xd: {  	[smem:$0x3FB2] =	sst s5  }
0xe: {  	[smem:$0x3FB3] =	sst s6  }
0xf: {  	[smem:$0x3FB4] =	sst s7  }
0x10: {  	[smem:$0x3FB5] =	sst s8  }
0x11: {  	[smem:$0x3FB6] =	sst s9;
	s0 =	simm.s32 @!p0 $0x0  }
0x12: {  	s1 =	sld [smem:$0x3F9C];
	s0 =	simm.s32 @p0 $0x1  }
0x13: {  	[smem:$0x3FB7] =	sst s0;
	s0 =	simm.s32 @!p1 $0x0  }
0x14: {  	s2 =	sld [smem:$0x3F9B];
	s0 =	simm.s32 @p1 $0x1  }
0x15: {  	[smem:$0x3FB8] =	sst s0;
	s0 =	simm.s32 @!p2 $0x0  }
0x16: {  	s3 =	sld [smem:$0x3FDB];
	s0 =	simm.s32 @p2 $0x1  }
0x17: {  	s4 =	simm.s32 $0x1BF5;
	[smem:$0x3FBA] =	sst s0  }
0x18: {  	s0 =	sld [smem:$0x3F9D];
	_ =	swait.ge [sflag:s4], $0x0  }
0x19: {  	s7 =	sld [smem:$0x3F9E]  }
0x1a: {  	s8 =	sadd.s32 $0xFFFFE003, lr  }
0x1b: {  	s9 =	sadd.s32 $0xFFFFFEF7, lr;
	s5 =	simm.s32 $0xFFFFFFFF;
	p2 =	slt.u32 s8, $0xFFFFF086  }
0x1c: {  	p1 =	slt.u32 s9, $0xF7A;
	s5 =	simm.s32 @!p2 $0x0  }
0x1d: {  	s5 =	simm.s32 @p1 $0x1;
	p0 =	seq.s32 s7, s2  }
0x1e: {  	s7 =	smul.u32 @!p0 $0xF7A, s2;
	p2 =	seq.s32 @!p0 s5, $0x0  }
0x1f: {  	s9 =	smul.u32 $0xF7A, s1;
	s8 =	simm.s32 @!p0 $0x1BF5;
	p2 =	por !p2, p0  }
0x20: {  	[sflag:s8] =	ssyncset.s32 @!p0 $0xFFFFF086;
	s6 =	sadd.s32 @!p0 s3, s7;
	s7 =	simm.s32 @!p0 $0x108  }
0x21: {  	s3 =	sadd.s32 s3, s9;
	s6 =	sadd.s32 @!p0 $0x88, s6;
	s7 =	simm.s32 @p2 $0x1082  }
0x22: {  	[simem:s7], [sflag:s8] =	dma.local @!p0 [hbm:s6], $0xF7A  }
0x23: {  	s9 =	sor.u32 $0xD0000000, s2;
	s6 =	simm.s32 $0x108;
	_ =	swait.ge @!p0 [sflag:s8], $0x0  }
0x24: {  	s3 =	sadd.s32 $0x88, s3;
	s6 =	simm.s32 @!p1 $0x1082;
	[sflag:s4] =	ssyncset.s32 $0xFFFFF086  }
0x25: {  	[simem:s6], [sflag:s4] =	dma.local [hbm:s3], $0xF7A  }
0x26: {  	[smem:$0x3F9E] =	sst s1;
	(tag) =	ssettag s2;
	_ =	strace s9  }
0x27: {  	s1 =	sld [smem:$0x3FAE]  }
0x28: {  	s2 =	sld [smem:$0x3FAF]  }
0x29: {  	s4 =	sld [smem:$0x3FB1]  }
0x2a: {  	p0 =	seq.s32 s5, $0x0;
	s5 =	sld [smem:$0x3FB2]  }
0x2b: {  	s6 =	sld [smem:$0x3FB3]  }
0x2c: {  	s7 =	sld [smem:$0x3FB4]  }
0x2d: {  	s3 =	simm.s32 $0x108;
	s8 =	sld [smem:$0x3FB5]  }
0x2e: {  	s3 =	simm.s32 @!p0 $0x1082;
	s9 =	sld [smem:$0x3FB6]  }
0x2f: {  	lr =	sadd.s32 s0, s3;
	s0 =	sld [smem:$0x3FAD]  }
0x30: {  	s3 =	sld [smem:$0x3FB0]  }
0x31: {  	[smem:$0x3FB9] =	sst s10  }
0x32: {  	s10 =	sld [smem:$0x3FB7];
	_ =	sdelay $0x3  }
0x33: {  	p0 =	seq.s32 s10, $0x1;
	s10 =	sld [smem:$0x3FB9];
	_ =	sdelay $0x3  }
0x34: {  	[smem:$0x3FB9] =	sst s10  }
0x35: {  	s10 =	sld [smem:$0x3FB8];
	_ =	sdelay $0x3  }
0x36: {  	p1 =	seq.s32 s10, $0x1;
	s10 =	sld [smem:$0x3FB9];
	_ =	sdelay $0x3  }
0x37: {  	[smem:$0x3FB9] =	sst s10  }
0x38: {  	s10 =	sld [smem:$0x3FBA]  }
0x39: {  	_ = 	snop;
	(pc) =	sbr.ind lr, $3  }
0x3a: {  	_ = 	snop  }
0x3b: {  	_ = 	snop  }
0x3c: {  	p2 =	seq.s32 s10, $0x1;
	s10 =	sld [smem:$0x3FB9]  }
0x3d: {  	_ =	shalt  }
0x3e: {  	_ =	shalt  }
0x3f: {  	_ =	shalt  }
0x40: {  	_ =	shalt  }
0x41: {  	_ =	shalt  }
0x42: {  	_ =	shalt  }
0x43: {  	_ =	shalt  }
0x44: {  	_ =	shalt  }
0x45: {  	_ =	shalt  }
0x46: {  	_ =	shalt  }
0x47: {  	_ =	shalt  }
0x48: {  	_ =	shalt  }
0x49: {  	_ =	shalt  }
0x4a: {  	_ =	shalt  }
0x4b: {  	_ =	shalt  }
0x4c: {  	_ =	shalt  }
0x4d: {  	_ =	shalt  }
0x4e: {  	_ =	shalt  }
0x4f: {  	_ =	shalt  }
0x50: {  	_ =	shalt  }
0x51: {  	_ =	shalt  }
0x52: {  	_ =	shalt  }
0x53: {  	_ =	shalt  }
0x54: {  	_ =	shalt  }
0x55: {  	_ =	shalt  }
0x56: {  	_ =	shalt  }
0x57: {  	_ =	shalt  }
0x58: {  	_ =	shalt  }
0x59: {  	_ =	shalt  }
0x5a: {  	_ =	shalt  }
0x5b: {  	_ =	shalt  }
0x5c: {  	_ =	shalt  }
0x5d: {  	_ =	shalt  }
0x5e: {  	_ =	shalt  }
0x5f: {  	_ =	shalt  }
0x60: {  	_ =	shalt  }
0x61: {  	_ =	shalt  }
0x62: {  	_ =	shalt  }
0x63: {  	_ =	shalt  }
0x64: {  	_ =	shalt  }
0x65: {  	_ =	shalt  }
0x66: {  	_ =	shalt  }
0x67: {  	_ =	shalt  }
0x68: {  	_ =	shalt  }
0x69: {  	_ =	shalt  }
0x6a: {  	_ =	shalt  }
0x6b: {  	_ =	shalt  }
0x6c: {  	_ =	shalt  }
0x6d: {  	_ =	shalt  }
0x6e: {  	_ =	shalt  }
0x6f: {  	_ =	shalt  }
0x70: {  	_ =	shalt  }
0x71: {  	_ =	shalt  }
0x72: {  	_ =	shalt  }
0x73: {  	_ =	shalt  }
0x74: {  	_ =	shalt  }
0x75: {  	_ =	shalt  }
0x76: {  	_ =	shalt  }
0x77: {  	_ =	shalt  }
0x78: {  	_ =	shalt  }
0x79: {  	_ =	shalt  }
0x7a: {  	_ =	shalt  }
0x7b: {  	_ =	shalt  }
0x7c: {  	_ =	shalt  }
0x7d: {  	_ =	shalt  }
0x7e: {  	_ =	shalt  }
0x7f: {  	_ =	shalt  }
0x80: {  	_ =	shalt  }
0x81: {  	_ =	shalt  }
0x82: {  	_ =	shalt  }
0x83: {  	_ =	shalt  }
0x84: {  	_ =	shalt  }
0x85: {  	_ =	shalt  }
0x86: {  	_ =	shalt  }
0x87: {  	_ =	shalt  }
.Lfunc_end0:
.L_simem_size_0:
called_computation_lowered:
.L_overlay_start_0:
0x88: {  	s2 =	sld [smem:$0x3FD9]  }
0x89: {  	s3 =	sld [smem:$0x3FFE];
	_ =	sdelay $0x1  }
0x8a: {  	s1 =	srdreg.scid  }
0x8b: {  	s0 =	sand.u32 $0x1, s1  }
0x8c: {  	s17 =	sshll.u32 s0, $0xA;
	s2 =	sadd.s32 s3, s2  }
0x8d: {  	s2 =	sadd.s32 s2, s17  }
0x8e: {  	[smem:$0x3FC5] =	sst s2  }
0x8f: {  	_ = 	snop  }
0x90: {  	s2 =	sld [smem:$0x3FC7]  }
0x91: {  	s18 =	sld [smem:$0x3FD0];
	(tm) =	ssettm $0x1  }
0x92: {  	s4 =	sld [smem:$0x3FFB];
	_ =	sdelay $0x3  }
0x93: {  	_ =	strace s4  }
0x94: {  	s4 =	sld [smem:$0x3FFC];
	_ =	sdelay $0x3  }
0x95: {  	_ =	strace s4  }
0x96: {  	s4 =	sld [smem:$0x3FFD];
	_ =	sdelay $0x3  }
0x97: {  	_ =	strace s4  }
0x98: {  	_ =	strace $0x8FFFFFFF  }
0x99: {  	s19 =	sld [smem:$0x3FDB];
	_ =	sdelay $0x1  }
0x9a: {  	s5 =	simm.s32 $_scs_section_size  }
0x9b: {  	s6 =	simm.s32 $_size__tile_overlayer_lowered;
	s7 =	simm.s32 $_tile_overlayer_lowered  }
0x9c: {  	s22 =	simm.s32 $0x1BFF;
	s21 =	sshll.u32 s7, $0x1;
	s4 =	sadd.s32 s5, s19  }
0x9d: {  	s8 =	simm.s32 $0x0;
	s20 =	sshll.u32 s6, $0x1;
	s6 =	sadd.s32 s21, s4  }
0x9e: {  	[timem:s8], [sflag:s22] =	dma.local [hbm:s6], s20  }
0x9f: {  	_ =	swait.ge [sflag:s22], s20  }
0xa0: {  	s5 =	ssub.s32 $0x0, s20;
	[sflag:s22] =	ssyncset.done $0x0  }
0xa1: {  	[sflag:s22] =	ssyncadd.s32 s5;
	_ =	sdelay $0x1  }
0xa2: {  	s23 =	simm.s32 $0x1B8B  }
0xa3: {  	_ =	swait.ge [sflag:s23], $0x1  }
0xa4: {  	[sflag:s23] =	ssyncset.done $0x0  }
0xa5: {  	s25 =	simm.s32 $0x1B8E;
	s24 =	sld [smem:$0x3FFE];
	[sflag:s23] =	ssyncadd.s32 $0xFFFFFFFF  }
0xa6: {  	s26 =	simm.s32 $execute0_lowered;
	[smem:$0x3FD2] =	sst s25  }
0xa7: {  	s6 =	sshll.u32 s26, $0x1;
	_ =	strace $0x80000046;
	[dreg:$0x1] =	wrdreg $0xFFFFFFFF  }
0xa8: {  	s28 =	simm.s32 $_size_execute0_lowered;
	s4 =	sadd.s32 s4, s6;
	[dreg:$0x0] =	wrdreg $0x0  }
0xa9: {  	s6 =	sshll.u32 s28, $0x1;
	[dreg:$0x2] =	wrdreg s4  }
0xaa: {  	[dreg:$0x3] =	wrdreg s6  }
0xab: {  	[dreg:$0x4] =	wrdreg $0xC0  }
0xac: {  	_ =	task [dreg:s8], $0x5FFFF  }
0xad: {  	[dreg:$0x1] =	wrdreg $0xFFFFFFFF  }
0xae: {  	[dreg:$0x0] =	wrdreg $0x60  }
0xaf: {  	[dreg:$0x2] =	wrdreg s2  }
0xb0: {  	[dreg:$0x3] =	wrdreg s24  }
0xb1: {  	[dreg:$0x4] =	wrdreg s18  }
0xb2: {  	[dreg:$0x5] =	wrdreg $0x9  }
0xb3: {  	_ =	task.clear_ibuf [dreg:s8], $0x6FFFF;
	_ =	strace $0x90000046  }
0xb4: {  	s29 =	simm.s32 $0x9;
	_ =	strace $0x80000048  }
0xb5: {  	_ =	swait.ge [sflag:s29], $0x1  }
0xb6: {  	[sflag:s29] =	ssyncadd.s32 $0xFFFFFFFF  }
0xb7: {  	_ =	strace $0x90000048  }
0xb8: {  	_ =	sfence  }
0xb9: {  	s30 =	sld [smem:$0x0];
	_ =	sdelay $0x2  }
0xba: {  	s31 =	sshll.u32 s1, $0xD;
	s1 =	sshrl.u32 s1, $0x2  }
0xbb: {  	s3 =	sand.u32 $0x4000, s31;
	s1 =	sadd.s32 s1, s30  }
0xbc: {  	s0 =	sor.u32 s3, s0;
	s1 =	sshll.u32 s1, $0x11  }
0xbd: {  	s0 =	sor.u32 s1, s0  }
0xbe: {  	s0 =	sadd.s32 $0x8F2B, s0  }
0xbf: {  	[sflag:s0] =	ssyncadd.remote.s32 $0x1  }
0xc0: {  	_ =	sfence.sel $0xFFFF  }
0xc1: {  	[dreg:$0x0] =	wrdreg $0xFFFFFFFF;
	(pc) =	sbr.abs _section_cstart, $3  }
0xc2: {  	[dreg:$0x1] =	wrdreg $0xFFFFFFFF  }
0xc3: {  	_ =	task.clear_ibuf [dreg:s8], $0x2FFFF;
	_ =	strace $0x9FFFFFFF  }
0xc4: {  	(tm) =	ssettm $0x7FFFFFFF  }
0xc5: {  	_ =	shalt  }
tec
execute0_lowered:
.L_overlay_start_1:
0x0: {  	(tag) =	ssettag $0x1  }
0x1: {  	v0 =	vimm.s32 $0xB80;
	vm14 =	vcmask $0x300  }
0x2: {  	vm13 =	vcmask $0x704;
	vm12 =	vcmask $0xB08;
	vm11 =	vcmask $0xF0C  }
0x3: {  	vm10 =	vcmask $0x1310;
	vm9 =	vcmask $0x1714;
	vm8 =	vcmask $0x1B18  }
0x4: {  	vm7 =	vcmask $0x1F1C;
	vm6 =	vcmask $0x2320;
	vm5 =	vcmask $0x2724  }
0x5: {  	vm4 =	vcmask $0x2B28;
	vm3 =	vcmask $0x2F2C;
	vm2 =	vcmask $0x3330  }
0x6: {  	vm1 =	vcmask $0x3734;
	vm0 =	vcmask $0x3B38;
	v1 =	vimm.s32 $0x1B80  }
0x7: {  	v2 =	vimm.s32 $0xF80;
	v3 =	vimm.s32 $0x1F80;
	v0 =	vsel vm14, $0x0, v0  }
0x8: {  	v1 =	vsel vm14, $0x1000, v1;
	v2 =	vsel vm14, $0x400, v2;
	v3 =	vsel vm14, $0x1400, v3  }
0x9: {  	v0 =	vsel vm13, $0x80, v0;
	v1 =	vsel vm13, $0x1080, v1;
	v2 =	vsel vm13, $0x480, v2  }
0xa: {  	s1 =	rddreg [dreg:$0x0];
	v3 =	vsel vm13, $0x1480, v3;
	v0 =	vsel vm12, $0x100, v0;
	v1 =	vsel vm12, $0x1100, v1  }
0xb: {  	s0 =	rddreg [dreg:$0x1];
	v2 =	vsel vm12, $0x500, v2;
	v3 =	vsel vm12, $0x1500, v3;
	v0 =	vsel vm11, $0x180, v0  }
0xc: {  	s2 =	rddreg [dreg:$0x2];
	v1 =	vsel vm11, $0x1180, v1;
	v2 =	vsel vm11, $0x580, v2;
	v3 =	vsel vm11, $0x1580, v3  }
0xd: {  	s4 =	srdreg.scid;
	s5 =	stileid.u32;
	v0 =	vsel vm10, $0x200, v0;
	v1 =	vsel vm10, $0x1200, v1;
	v2 =	vsel vm10, $0x600, v2  }
0xe: {  	s3 =	simm.s32 $0x0;
	s7 =	simm.s32 $0x5;
	s8 =	simm.s32 $0x500;
	v3 =	vsel vm10, $0x1600, v3;
	v0 =	vsel vm9, $0x280, v0;
	v1 =	vsel vm9, $0x1280, v1  }
0xf: {  	s12 =	simm.s32 $0x2500;
	s29 =	simm.s32 $0x6500;
	s14 =	simm.s32 $0x8500;
	v2 =	vsel vm9, $0x680, v2;
	v3 =	vsel vm9, $0x1680, v3;
	v0 =	vsel vm8, $0x300, v0  }
0x10: {  	s18 =	simm.s32 $0xA500;
	s21 =	simm.s32 $0xBD00;
	s22 =	simm.s32 $0x8900;
	v1 =	vsel vm8, $0x1300, v1;
	v2 =	vsel vm8, $0x700, v2;
	v3 =	vsel vm8, $0x1700, v3  }
0x11: {  	s23 =	simm.s32 $0x9100;
	s28 =	simm.s32 $0xA900;
	s30 =	simm.s32 $0xB100;
	v0 =	vsel vm7, $0x380, v0;
	v1 =	vsel vm7, $0x1380, v1;
	v2 =	vsel vm7, $0x780, v2  }
0x12: {  	s31 =	simm.s32 $0xB900;
	s9 =	simm.s32 $0x3;
	s10 =	simm.s32 $0x4;
	v3 =	vsel vm7, $0x1780, v3;
	v0 =	vsel vm6, $0x800, v0;
	v1 =	vsel vm6, $0x1800, v1  }
0x13: {  	s11 =	simm.s32 $0x0;
	s4 =	sand.u32 $0x1, s4;
	s5 =	sshll.u32 s5, $0x1;
	v2 =	vsel vm6, $0xC00, v2;
	v3 =	vsel vm6, $0x1C00, v3;
	v0 =	vsel vm5, $0x880, v0  }
0x14: {  	[smem:$0x7FF] =	sst s3;
	s5 =	sor.u32 s4, s5;
	s4 =	ssub.s32 $0x2, s4;
	v1 =	vsel vm5, $0x1880, v1;
	v2 =	vsel vm5, $0xC80, v2;
	v3 =	vsel vm5, $0x1C80, v3  }
0x15: {  	_ =	strace $0x80000047;
	s6 =	sshll.u32 s5, $0x7;
	s24 =	sshrl.u32 s4, $0x1;
	v0 =	vsel vm4, $0x900, v0;
	v1 =	vsel vm4, $0x1900, v1;
	v2 =	vsel vm4, $0xD00, v2  }
0x16: {  	s5 =	sshll.u32 s5, $0x6;
	s0 =	sadd.s32 s6, s0;
	s4 =	ssub.s32 s4, s24;
	v3 =	vsel vm4, $0x1D00, v3;
	v0 =	vsel vm3, $0x980, v0;
	v1 =	vsel vm3, $0x1980, v1  }
.Ltmp0:
0x17: {  	s25 =	sadd.s32 s2, s5;
	s24 =	simm.s32 $0x4500;
	v2 =	vsel vm3, $0xD80, v2;
	v3 =	vsel vm3, $0x1D80, v3;
	v0 =	vsel vm2, $0xA00, v0;
	(pc) =	sbr.rel .LBB2_1-.Ltmp0, $4  }
0x18: {  	s2 =	simm.s32 $0xC500;
	s5 =	simm.s32 $0x1;
	s6 =	simm.s32 $0x2;
	v1 =	vsel vm2, $0x1A00, v1;
	v2 =	vsel vm2, $0xE00, v2;
	v3 =	vsel vm2, $0x1E00, v3  }
0x19: {  	s0 =	sadd.s32 $0x400, s0;
	[dreg:$0x5] =	wrdreg s25;
	s26 =	smax.u32 s4, $0x1;
	v0 =	vsel vm1, $0xA80, v0;
	v1 =	vsel vm1, $0x1A80, v1;
	v4 =	vsel vm1, $0xE80, v2  }
0x1a: {  	s25 =	simm.s32 $0x9900;
	s4 =	simm.s32 $0xE500;
	[dreg:$0x4] =	wrdreg s0;
	v5 =	vsel vm1, $0x1E80, v3;
	v2 =	vlaneseq.u32;
	v0 =	vsel vm0, $0xB00, v0  }
0x1b: {  	[dreg:$0x6] =	wrdreg s26;
	s26 =	simm.s32 $0xA100;
	s0 =	simm.s32 $0xC100;
	v1 =	vsel vm0, $0x1B00, v1;
	v3 =	vsel vm0, $0xF00, v4;
	v4 =	vsel vm0, $0x1F00, v5  }
.LBB2_18:
0x1c: {  	s13 =	rddreg [dreg:$0x5];
	s15 =	simm.s32 $0x10500  }
0x1d: {  	[hbm4b:s13+s3] =	stream.linear.scatter [tilespmem:s15], [sflag:$0x5], $0x200, $0x38;
	[tilespmem:$0x10700] =	vst v63  }
0x1e: {  	_ =	swait.ge [sflag:s7], $0x200  }
0x1f: {  	s11 =	sadd.s32 $0x1, s11;
	s20 =	rddreg [dreg:$0x6]  }
0x20: {  	p0 =	sne.s32 s11, s20  }
.Ltmp1:
0x21: {  	_ = 	snop;
	(pc) =	sbr.rel @!p0 .LBB2_19-.Ltmp1, $3  }
0x22: {  	_ =	sdelay $0x1  }
0x23: {  	[sflag:s7] =	ssyncset.done $0x0  }
0x24: {  	[sflag:s7] =	ssyncadd.s32 $0xFFFFFE00  }
.LBB2_1:
0x25: {  	s13 =	rddreg [dreg:$0x4]  }
0x26: {  	[tilespmem:s3], [sflag:$0x5] =	stream.linear.gather [hbm4b:s13+s3], $0x400, $0x38;
	[tilespmem:$0x10700] =	vst v63  }
0x27: {  	_ =	swait.ge [sflag:s7], $0x400  }
0x28: {  	[sflag:s7] =	ssyncset.done $0x0  }
0x29: {  	[sflag:s7] =	ssyncadd.s32 $0xFFFFFC00  }
0x2a: {  	v5 =	vld [tilespmem:$0x0];
	_ =	sdelay $0x4  }
0x2b: {  	v5 =	vshrl.u32 v5, $0x7  }
0x2c: {  	v5 =	vmin.u32 v5, $0x1E84  }
0x2d: {  	v5 =	vshll.u32 v5, $0x7  }
0x2e: {  	v6 =	vld [tilespmem:$0x80];
	v5 =	vadd.s32 s1, v5  }
0x2f: {  	(v2sf) =	vpush v5, $0x0;
	_ =	sdelay $0x3  }
0x30: {  	v6 =	vshrl.u32 v6, $0x7  }
0x31: {  	v6 =	vmin.u32 v6, $0x1E84  }
0x32: {  	v6 =	vshll.u32 v6, $0x7  }
0x33: {  	v6 =	vadd.s32 s1, v6  }
0x34: {  	(v2sf) =	vpush v6, $0x0;
	_ =	sdelay $0x6  }
0x35: {  	s17 =	spop (v2sf)  }
0x36: {  	(v2sf) =	vpush v5, $0x1;
	[tilespmem:s8], [sflag:$0x1] =	stream.linear.gather [hbm4b:s17+s3], $0x400, $0x38;
	[tilespmem:$0x10700] =	vst v63  }
0x37: {  	s16 =	simm.s32 $0xD00;
	s15 =	sadd.s32 $0xF4280, s17  }
0x38: {  	[tilespmem:s16], [sflag:$0x1] =	stream.linear.gather [hbm4b:s15+s3], $0x400, $0x38;
	[tilespmem:$0x10700] =	vst v63  }
0x39: {  	s20 =	simm.s32 $0x1500;
	s19 =	sadd.s32 $0x1E8500, s17  }
0x3a: {  	[tilespmem:s20], [sflag:$0x1] =	stream.linear.gather [hbm4b:s19+s3], $0x400, $0x38;
	[tilespmem:$0x10700] =	vst v63  }
0x3b: {  	s13 =	sadd.s32 $0x2DC780, s17;
	s17 =	simm.s32 $0x1D00  }
0x3c: {  	[tilespmem:s17], [sflag:$0x1] =	stream.linear.gather [hbm4b:s13+s3], $0x400, $0x38;
	[tilespmem:$0x10700] =	vst v63  }
0x3d: {  	s13 =	spop (v2sf)  }
0x3e: {  	(v2sf) =	vpush v6, $0x1;
	[tilespmem:s12], [sflag:$0x1] =	stream.linear.gather [hbm4b:s13+s3], $0x400, $0x38;
	[tilespmem:$0x10700] =	vst v63  }
0x3f: {  	s20 =	simm.s32 $0x2D00;
	s19 =	sadd.s32 $0xF4280, s13  }
0x40: {  	[tilespmem:s20], [sflag:$0x1] =	stream.linear.gather [hbm4b:s19+s3], $0x400, $0x38;
	[tilespmem:$0x10700] =	vst v63  }
0x41: {  	s17 =	simm.s32 $0x3500;
	s16 =	sadd.s32 $0x1E8500, s13  }
0x42: {  	[tilespmem:s17], [sflag:$0x1] =	stream.linear.gather [hbm4b:s16+s3], $0x400, $0x38;
	[tilespmem:$0x10700] =	vst v63  }
0x43: {  	s13 =	sadd.s32 $0x2DC780, s13;
	s19 =	simm.s32 $0x3D00  }
0x44: {  	[tilespmem:s19], [sflag:$0x1] =	stream.linear.gather [hbm4b:s13+s3], $0x400, $0x38;
	[tilespmem:$0x10700] =	vst v63  }
0x45: {  	s20 =	simm.s32 $0x900;
	s13 =	spop (v2sf)  }
0x46: {  	[tilespmem:s20], [sflag:$0x1] =	stream.linear.gather [hbm4b:s13+s3], $0x400, $0x38;
	[tilespmem:$0x10700] =	vst v63  }
0x47: {  	s17 =	simm.s32 $0x1100;
	s16 =	sadd.s32 $0xF4280, s13  }
0x48: {  	[tilespmem:s17], [sflag:$0x1] =	stream.linear.gather [hbm4b:s16+s3], $0x400, $0x38;
	[tilespmem:$0x10700] =	vst v63  }
0x49: {  	s19 =	sadd.s32 $0x1E8500, s13;
	s20 =	simm.s32 $0x1900  }
0x4a: {  	[tilespmem:s20], [sflag:$0x1] =	stream.linear.gather [hbm4b:s19+s3], $0x400, $0x38;
	[tilespmem:$0x10700] =	vst v63  }
0x4b: {  	s13 =	sadd.s32 $0x2DC780, s13;
	s16 =	simm.s32 $0x2100  }
0x4c: {  	[tilespmem:s16], [sflag:$0x1] =	stream.linear.gather [hbm4b:s13+s3], $0x400, $0x38;
	[tilespmem:$0x10700] =	vst v63  }
0x4d: {  	s17 =	simm.s32 $0x2900;
	s13 =	spop (v2sf)  }
0x4e: {  	[tilespmem:s17], [sflag:$0x1] =	stream.linear.gather [hbm4b:s13+s3], $0x400, $0x38;
	[tilespmem:$0x10700] =	vst v63  }
0x4f: {  	s20 =	simm.s32 $0x3100;
	s19 =	sadd.s32 $0xF4280, s13  }
0x50: {  	[tilespmem:s20], [sflag:$0x1] =	stream.linear.gather [hbm4b:s19+s3], $0x400, $0x38;
	[tilespmem:$0x10700] =	vst v63  }
0x51: {  	s17 =	sadd.s32 $0x1E8500, s13;
	s19 =	simm.s32 $0x3900  }
0x52: {  	[tilespmem:s19], [sflag:$0x1] =	stream.linear.gather [hbm4b:s17+s3], $0x400, $0x38;
	[tilespmem:$0x10700] =	vst v63  }
0x53: {  	s13 =	sadd.s32 $0x2DC780, s13;
	s20 =	simm.s32 $0x4100  }
0x54: {  	[tilespmem:s20], [sflag:$0x1] =	stream.linear.gather [hbm4b:s13+s3], $0x400, $0x38;
	[tilespmem:$0x10700] =	vst v63  }
0x55: {  	v5 =	vld [tilespmem:$0x2];
	_ =	sdelay $0x4  }
0x56: {  	v5 =	vshrl.u32 v5, $0x7  }
0x57: {  	v5 =	vmin.u32 v5, $0x1E84  }
0x58: {  	v5 =	vshll.u32 v5, $0x7  }
0x59: {  	v6 =	vld [tilespmem:$0x82];
	v5 =	vadd.s32 s1, v5  }
0x5a: {  	(v2sf) =	vpush v5, $0x0;
	_ =	sdelay $0x3  }
0x5b: {  	v6 =	vshrl.u32 v6, $0x7  }
0x5c: {  	v6 =	vmin.u32 v6, $0x1E84  }
0x5d: {  	v6 =	vshll.u32 v6, $0x7  }
0x5e: {  	v6 =	vadd.s32 s1, v6  }
0x5f: {  	(v2sf) =	vpush v6, $0x0;
	_ =	sdelay $0x6  }
0x60: {  	s13 =	spop (v2sf)  }
0x61: {  	(v2sf) =	vpush v5, $0x1;
	[tilespmem:s24], [sflag:$0x2] =	stream.linear.gather [hbm4b:s13+s3], $0x400, $0x38;
	[tilespmem:$0x10700] =	vst v63  }
0x62: {  	s17 =	simm.s32 $0x4D00;
	s16 =	sadd.s32 $0xF4280, s13  }
0x63: {  	[tilespmem:s17], [sflag:$0x2] =	stream.linear.gather [hbm4b:s16+s3], $0x400, $0x38;
	[tilespmem:$0x10700] =	vst v63  }
0x64: {  	s20 =	simm.s32 $0x5500;
	s19 =	sadd.s32 $0x1E8500, s13  }
0x65: {  	[tilespmem:s20], [sflag:$0x2] =	stream.linear.gather [hbm4b:s19+s3], $0x400, $0x38;
	[tilespmem:$0x10700] =	vst v63  }
0x66: {  	s13 =	sadd.s32 $0x2DC780, s13;
	s17 =	simm.s32 $0x5D00  }
0x67: {  	[tilespmem:s17], [sflag:$0x2] =	stream.linear.gather [hbm4b:s13+s3], $0x400, $0x38;
	[tilespmem:$0x10700] =	vst v63  }
0x68: {  	s13 =	spop (v2sf)  }
0x69: {  	(v2sf) =	vpush v6, $0x1;
	[tilespmem:s29], [sflag:$0x2] =	stream.linear.gather [hbm4b:s13+s3], $0x400, $0x38;
	[tilespmem:$0x10700] =	vst v63  }
0x6a: {  	s20 =	simm.s32 $0x6D00;
	s19 =	sadd.s32 $0xF4280, s13  }
0x6b: {  	[tilespmem:s20], [sflag:$0x2] =	stream.linear.gather [hbm4b:s19+s3], $0x400, $0x38;
	[tilespmem:$0x10700] =	vst v63  }
0x6c: {  	s17 =	simm.s32 $0x7500;
	s16 =	sadd.s32 $0x1E8500, s13  }
0x6d: {  	[tilespmem:s17], [sflag:$0x2] =	stream.linear.gather [hbm4b:s16+s3], $0x400, $0x38;
	[tilespmem:$0x10700] =	vst v63  }
0x6e: {  	s13 =	sadd.s32 $0x2DC780, s13;
	s19 =	simm.s32 $0x7D00  }
0x6f: {  	[tilespmem:s19], [sflag:$0x2] =	stream.linear.gather [hbm4b:s13+s3], $0x400, $0x38;
	[tilespmem:$0x10700] =	vst v63  }
0x70: {  	s20 =	simm.s32 $0x4900;
	s13 =	spop (v2sf)  }
0x71: {  	[tilespmem:s20], [sflag:$0x2] =	stream.linear.gather [hbm4b:s13+s3], $0x400, $0x38;
	[tilespmem:$0x10700] =	vst v63  }
0x72: {  	s17 =	simm.s32 $0x5100;
	s16 =	sadd.s32 $0xF4280, s13  }
0x73: {  	[tilespmem:s17], [sflag:$0x2] =	stream.linear.gather [hbm4b:s16+s3], $0x400, $0x38;
	[tilespmem:$0x10700] =	vst v63  }
0x74: {  	s19 =	sadd.s32 $0x1E8500, s13;
	s20 =	simm.s32 $0x5900  }
0x75: {  	[tilespmem:s20], [sflag:$0x2] =	stream.linear.gather [hbm4b:s19+s3], $0x400, $0x38;
	[tilespmem:$0x10700] =	vst v63  }
0x76: {  	s13 =	sadd.s32 $0x2DC780, s13;
	s16 =	simm.s32 $0x6100  }
0x77: {  	[tilespmem:s16], [sflag:$0x2] =	stream.linear.gather [hbm4b:s13+s3], $0x400, $0x38;
	[tilespmem:$0x10700] =	vst v63  }
0x78: {  	s17 =	simm.s32 $0x6900;
	s13 =	spop (v2sf)  }
0x79: {  	[tilespmem:s17], [sflag:$0x2] =	stream.linear.gather [hbm4b:s13+s3], $0x400, $0x38;
	[tilespmem:$0x10700] =	vst v63  }
0x7a: {  	s20 =	simm.s32 $0x7100;
	s19 =	sadd.s32 $0xF4280, s13  }
0x7b: {  	[tilespmem:s20], [sflag:$0x2] =	stream.linear.gather [hbm4b:s19+s3], $0x400, $0x38;
	[tilespmem:$0x10700] =	vst v63  }
0x7c: {  	s17 =	sadd.s32 $0x1E8500, s13;
	s19 =	simm.s32 $0x7900  }
0x7d: {  	[tilespmem:s19], [sflag:$0x2] =	stream.linear.gather [hbm4b:s17+s3], $0x400, $0x38;
	[tilespmem:$0x10700] =	vst v63  }
0x7e: {  	s13 =	sadd.s32 $0x2DC780, s13;
	s20 =	simm.s32 $0x8100  }
0x7f: {  	[tilespmem:s20], [sflag:$0x2] =	stream.linear.gather [hbm4b:s13+s3], $0x400, $0x38;
	[tilespmem:$0x10700] =	vst v63  }
0x80: {  	v5 =	vld [tilespmem:$0x4];
	_ =	sdelay $0x4  }
0x81: {  	v5 =	vshrl.u32 v5, $0x7  }
0x82: {  	v5 =	vmin.u32 v5, $0x1E84  }
0x83: {  	v5 =	vshll.u32 v5, $0x7  }
0x84: {  	v6 =	vld [tilespmem:$0x84];
	v5 =	vadd.s32 s1, v5  }
0x85: {  	(v2sf) =	vpush v5, $0x0;
	_ =	sdelay $0x3  }
0x86: {  	v6 =	vshrl.u32 v6, $0x7  }
0x87: {  	v6 =	vmin.u32 v6, $0x1E84  }
0x88: {  	v6 =	vshll.u32 v6, $0x7  }
0x89: {  	v6 =	vadd.s32 s1, v6  }
0x8a: {  	(v2sf) =	vpush v6, $0x0;
	_ =	sdelay $0x6  }
0x8b: {  	s13 =	spop (v2sf)  }
0x8c: {  	(v2sf) =	vpush v5, $0x1;
	[tilespmem:s14], [sflag:$0x3] =	stream.linear.gather [hbm4b:s13+s3], $0x400, $0x38;
	[tilespmem:$0x10700] =	vst v63  }
0x8d: {  	s17 =	simm.s32 $0x8D00;
	s16 =	sadd.s32 $0xF4280, s13  }
0x8e: {  	[tilespmem:s17], [sflag:$0x3] =	stream.linear.gather [hbm4b:s16+s3], $0x400, $0x38;
	[tilespmem:$0x10700] =	vst v63  }
0x8f: {  	s20 =	simm.s32 $0x9500;
	s19 =	sadd.s32 $0x1E8500, s13  }
0x90: {  	[tilespmem:s20], [sflag:$0x3] =	stream.linear.gather [hbm4b:s19+s3], $0x400, $0x38;
	[tilespmem:$0x10700] =	vst v63  }
0x91: {  	s13 =	sadd.s32 $0x2DC780, s13;
	s17 =	simm.s32 $0x9D00  }
0x92: {  	[tilespmem:s17], [sflag:$0x3] =	stream.linear.gather [hbm4b:s13+s3], $0x400, $0x38;
	[tilespmem:$0x10700] =	vst v63  }
0x93: {  	s13 =	spop (v2sf)  }
0x94: {  	(v2sf) =	vpush v6, $0x1;
	[tilespmem:s18], [sflag:$0x3] =	stream.linear.gather [hbm4b:s13+s3], $0x400, $0x38;
	[tilespmem:$0x10700] =	vst v63  }
0x95: {  	s20 =	simm.s32 $0xAD00;
	s19 =	sadd.s32 $0xF4280, s13  }
0x96: {  	[tilespmem:s20], [sflag:$0x3] =	stream.linear.gather [hbm4b:s19+s3], $0x400, $0x38;
	[tilespmem:$0x10700] =	vst v63  }
0x97: {  	s17 =	simm.s32 $0xB500;
	s16 =	sadd.s32 $0x1E8500, s13  }
0x98: {  	[tilespmem:s17], [sflag:$0x3] =	stream.linear.gather [hbm4b:s16+s3], $0x400, $0x38;
	[tilespmem:$0x10700] =	vst v63  }
0x99: {  	s13 =	sadd.s32 $0x2DC780, s13  }
0x9a: {  	[tilespmem:s21], [sflag:$0x3] =	stream.linear.gather [hbm4b:s13+s3], $0x400, $0x38;
	[tilespmem:$0x10700] =	vst v63  }
0x9b: {  	s19 =	spop (v2sf)  }
0x9c: {  	[tilespmem:s22], [sflag:$0x3] =	stream.linear.gather [hbm4b:s19+s3], $0x400, $0x38;
	[tilespmem:$0x10700] =	vst v63  }
0x9d: {  	s20 =	sadd.s32 $0xF4280, s19  }
0x9e: {  	[tilespmem:s23], [sflag:$0x3] =	stream.linear.gather [hbm4b:s20+s3], $0x400, $0x38;
	[tilespmem:$0x10700] =	vst v63  }
0x9f: {  	s16 =	sadd.s32 $0x1E8500, s19  }
0xa0: {  	[tilespmem:s25], [sflag:$0x3] =	stream.linear.gather [hbm4b:s16+s3], $0x400, $0x38;
	[tilespmem:$0x10700] =	vst v63  }
0xa1: {  	s13 =	sadd.s32 $0x2DC780, s19  }
0xa2: {  	[tilespmem:s26], [sflag:$0x3] =	stream.linear.gather [hbm4b:s13+s3], $0x400, $0x38;
	[tilespmem:$0x10700] =	vst v63  }
0xa3: {  	s17 =	spop (v2sf)  }
0xa4: {  	[tilespmem:s28], [sflag:$0x3] =	stream.linear.gather [hbm4b:s17+s3], $0x400, $0x38;
	[tilespmem:$0x10700] =	vst v63  }
0xa5: {  	s19 =	sadd.s32 $0xF4280, s17  }
0xa6: {  	[tilespmem:s30], [sflag:$0x3] =	stream.linear.gather [hbm4b:s19+s3], $0x400, $0x38;
	[tilespmem:$0x10700] =	vst v63  }
.Ltmp2:
0xa7: {  	s20 =	sadd.s32 $0x1E8500, s17;
	(pc) =	sbr.rel .LBB2_2-.Ltmp2, $4  }
0xa8: {  	[tilespmem:s31], [sflag:$0x3] =	stream.linear.gather [hbm4b:s20+s3], $0x400, $0x38;
	[tilespmem:$0x10700] =	vst v63  }
0xa9: {  	s13 =	sadd.s32 $0x2DC780, s17  }
0xaa: {  	[tilespmem:s0], [sflag:$0x3] =	stream.linear.gather [hbm4b:s13+s3], $0x400, $0x38;
	[tilespmem:$0x10700] =	vst v63  }
0xab: {  	s15 =	simm.s32 $0x0;
	s16 =	simm.s32 $0x0;
	s13 =	simm.s32 $0xC  }
.LBB2_16:
0xac: {  	_ =	swait.ge [sflag:s10], $0x2000  }
0xad: {  	[sflag:s10] =	ssyncset.done $0x0  }
0xae: {  	[sflag:s10] =	ssyncadd.s32 $0xFFFFE000  }
0xaf: {  	s17 =	sadd.s32 $0xFFFFFFF4, s13;
	_ =	swait.ge [sflag:s10], $0x2000  }
0xb0: {  	s19 =	sand.u32 $0x7E, s15;
	s17 =	sand.u32 $0x300, s17;
	[sflag:s10] =	ssyncset.done $0x0  }
0xb1: {  	s17 =	sor.u32 s19, s17;
	[sflag:s10] =	ssyncadd.s32 $0xFFFFE000  }
0xb2: {  	v5 =	vld [tilespmem:s17+$0x0];
	_ =	sdelay $0x1  }
0xb3: {  	v6 =	vld [tilespmem:s17+$0x80];
	_ =	sdelay $0x2  }
0xb4: {  	v5 =	vand.u32 $0x7F, v5  }
0xb5: {  	v7 =	vbroadcast v5, $0x0  }
0xb6: {  	v6 =	vand.u32 $0x7F, v6  }
0xb7: {  	v8 =	vbroadcast v6, $0x0;
	v9 =	vor.u32 v0, v7  }
0xb8: {  	v7 =	vor.u32 v1, v7  }
0xb9: {  	v5 =	vbroadcast v5, $0x1;
	v10 =	vor.u32 v0, v8  }
0xba: {  	v8 =	vor.u32 v1, v8  }
0xbb: {  	v6 =	vbroadcast v6, $0x1;
	v11 =	vor.u32 v3, v5  }
0xbc: {  	v5 =	vor.u32 v4, v5;
	v9 =	vld.idx.msk [tilespmem:v9+s2+$0x0], $0xffff  }
0xbd: {  	v12 =	vor.u32 v3, v6;
	v7 =	vld.idx.msk [tilespmem:v7+s2+$0x0], $0xffff  }
0xbe: {  	v6 =	vor.u32 v4, v6;
	v10 =	vld.idx.msk [tilespmem:v10+s4+$0x0], $0xffff  }
0xbf: {  	v8 =	vld.idx.msk [tilespmem:v8+s4+$0x0], $0xffff  }
0xc0: {  	v11 =	vld.idx.msk [tilespmem:v11+s2+$0x0], $0xffff  }
0xc1: {  	v5 =	vld.idx.msk [tilespmem:v5+s2+$0x0], $0xffff  }
0xc2: {  	v12 =	vld.idx.msk [tilespmem:v12+s4+$0x0], $0xffff  }
0xc3: {  	v6 =	vld.idx.msk [tilespmem:v6+s4+$0x0], $0xffff;
	_ =	sdelay $0x3  }
0xc4: {  	v9 =	vmul.f32 v10, v9;
	v7 =	vmul.f32 v8, v7  }
0xc5: {  	v62 =	vmul.f32 v12, v11;
	v5 =	vmul.f32 v6, v5  }
0xc6: {  	v6 =	vadd.f32 v7, v9  }
0xc7: {  	v5 =	vadd.f32 v5, v62  }
0xc8: {  	(xrf2) =	vadd.scan.msk.f32 $0xffff, v6  }
0xc9: {  	(xrf2) =	vadd.scan.msk.f32 $0xffff, v5;
	_ =	sdelay $0x5  }
0xca: {  	s17 =	sand.u32 $0x1F0, s15  }
0xcb: {  	v5 =	vld [tilespmem:s17+$0x10500]  }
0xcc: {  	s19 =	sand.u32 $0x7, s16  }
0xcd: {  	s20 =	sshll.u32 s19, $0x1;
	v6, _, _ =	vpop (xrf2)  }
0xce: {  	v7 =	vmov s20;
	s20 =	sshllo.u32 s19, $0x1;
	v6 =	vbroadcast v6, $0xF;
	v63, _, _ =	vpop (xrf2)  }
0xcf: {  	vm0 =	veq.s32 v7, v2;
	v7 =	vmov s20;
	v8 =	vbroadcast v63, $0xF  }
0xd0: {  	vm15 =	veq.s32 v7, v2;
	v5 =	vsel vm0, v6, v5  }
0xd1: {  	p0 =	sne.s32 s19, $0x7;
	v5 =	vsel vm15, v8, v5  }
0xd2: {  	v6 =	vsub.f32 @!p0 $0.0e+00, v5;
	_ =	sdelay $0x1  }
0xd3: {  	v6 =	vmul.f32 @!p0 $1.442695020e+00, v6;
	_ =	sdelay $0x1  }
0xd4: {  	(erf) = vpow2.f32 @!p0 v6;
	_ =	sdelay $0x8  }
0xd5: {  	v6 =	vpop @!p0 (erf)  }
0xd6: {  	v6 =	vadd.f32 @!p0 $1.000000000e+00, v6;
	_ =	sdelay $0x1  }
0xd7: {  	(erf) = vrcp.f32 @!p0 v6;
	_ =	sdelay $0x8  }
0xd8: {  	[tilespmem:s17+$0x10500] =	vst v5;
	v5 =	vpop @!p0 (erf)  }
0xd9: {  	[tilespmem:s17+$0x10500] =	vst @!p0 v5  }
.LBB2_17:
0xda: {  	s15 =	sadd.s32 $0x2, s15  }
0xdb: {  	p0 =	sne.s32 s15, $0x200  }
.Ltmp3:
0xdc: {  	_ = 	snop;
	(pc) =	sbr.rel @!p0 .LBB2_18-.Ltmp3, $2  }
0xdd: {  	_ =	sdelay $0x2  }
0xde: {  	s16 =	sadd.s32 $0x1, s16;
	s13 =	sadd.s32 $0x4, s13  }
.LBB2_2:
0xdf: {  	s17 =	sand.u32 $0x3, s16  }
0xe0: {  	p0 =	sgt.s32 s17, $0x1  }
.Ltmp4:
0xe1: {  	_ = 	snop;
	(pc) =	sbr.rel @p0 .LBB2_13-.Ltmp4, $1  }
0xe2: {  	_ =	sdelay $0x3  }
0xe3: {  	p0 =	seq.s32 s17, $0x0  }
.Ltmp5:
0xe4: {  	_ = 	snop;
	(pc) =	sbr.rel @!p0 .LBB2_7-.Ltmp5, $1  }
0xe5: {  	_ =	sdelay $0x3  }
0xe6: {  	p0 =	sgt.u32 s16, $0xFC  }
.Ltmp6:
0xe7: {  	_ = 	snop;
	(pc) =	sbr.rel @p0 .LBB2_6-.Ltmp6, $1  }
0xe8: {  	_ =	sdelay $0x3  }
0xe9: {  	s17 =	sadd.s32 $0x6, s15  }
0xea: {  	s19 =	sand.u32 $0x700, s13;
	s17 =	sand.u32 $0x7E, s17  }
0xeb: {  	s17 =	sor.u32 s17, s19  }
0xec: {  	v5 =	vld [tilespmem:s17+$0x0];
	_ =	sdelay $0x4  }
0xed: {  	v5 =	vshrl.u32 v5, $0x7  }
0xee: {  	v5 =	vmin.u32 v5, $0x1E84  }
0xef: {  	v5 =	vshll.u32 v5, $0x7  }
0xf0: {  	v6 =	vld [tilespmem:s17+$0x80];
	v5 =	vadd.s32 s1, v5  }
0xf1: {  	(v2sf) =	vpush v5, $0x0;
	_ =	sdelay $0x3  }
0xf2: {  	v6 =	vshrl.u32 v6, $0x7  }
0xf3: {  	v6 =	vmin.u32 v6, $0x1E84  }
0xf4: {  	v6 =	vshll.u32 v6, $0x7  }
0xf5: {  	v6 =	vadd.s32 s1, v6  }
0xf6: {  	(v2sf) =	vpush v6, $0x0;
	_ =	sdelay $0x6  }
0xf7: {  	s17 =	spop (v2sf)  }
0xf8: {  	(v2sf) =	vpush v5, $0x1;
	[tilespmem:s2], [sflag:$0x4] =	stream.linear.gather [hbm4b:s17+s3], $0x400, $0x38;
	[tilespmem:$0x10700] =	vst v63  }
0xf9: {  	s20 =	simm.s32 $0xCD00;
	s19 =	sadd.s32 $0xF4280, s17  }
0xfa: {  	[tilespmem:s20], [sflag:$0x4] =	stream.linear.gather [hbm4b:s19+s3], $0x400, $0x38;
	[tilespmem:$0x10700] =	vst v63  }
0xfb: {  	s19 =	sadd.s32 $0x1E8500, s17;
	s20 =	simm.s32 $0xD500  }
0xfc: {  	[tilespmem:s20], [sflag:$0x4] =	stream.linear.gather [hbm4b:s19+s3], $0x400, $0x38;
	[tilespmem:$0x10700] =	vst v63  }
0xfd: {  	s17 =	sadd.s32 $0x2DC780, s17;
	s20 =	simm.s32 $0xDD00  }
0xfe: {  	[tilespmem:s20], [sflag:$0x4] =	stream.linear.gather [hbm4b:s17+s3], $0x400, $0x38;
	[tilespmem:$0x10700] =	vst v63  }
0xff: {  	s17 =	spop (v2sf)  }
0x100: {  	(v2sf) =	vpush v6, $0x1;
	[tilespmem:s4], [sflag:$0x4] =	stream.linear.gather [hbm4b:s17+s3], $0x400, $0x38;
	[tilespmem:$0x10700] =	vst v63  }
0x101: {  	s20 =	simm.s32 $0xED00;
	s19 =	sadd.s32 $0xF4280, s17  }
0x102: {  	[tilespmem:s20], [sflag:$0x4] =	stream.linear.gather [hbm4b:s19+s3], $0x400, $0x38;
	[tilespmem:$0x10700] =	vst v63  }
0x103: {  	s19 =	sadd.s32 $0x1E8500, s17;
	s20 =	simm.s32 $0xF500  }
0x104: {  	[tilespmem:s20], [sflag:$0x4] =	stream.linear.gather [hbm4b:s19+s3], $0x400, $0x38;
	[tilespmem:$0x10700] =	vst v63  }
0x105: {  	s17 =	sadd.s32 $0x2DC780, s17;
	s20 =	simm.s32 $0xFD00  }
0x106: {  	[tilespmem:s20], [sflag:$0x4] =	stream.linear.gather [hbm4b:s17+s3], $0x400, $0x38;
	[tilespmem:$0x10700] =	vst v63  }
0x107: {  	s17 =	spop (v2sf);
	s20 =	simm.s32 $0xC900  }
0x108: {  	[tilespmem:s20], [sflag:$0x4] =	stream.linear.gather [hbm4b:s17+s3], $0x400, $0x38;
	[tilespmem:$0x10700] =	vst v63  }
0x109: {  	s19 =	sadd.s32 $0xF4280, s17;
	s20 =	simm.s32 $0xD100  }
0x10a: {  	[tilespmem:s20], [sflag:$0x4] =	stream.linear.gather [hbm4b:s19+s3], $0x400, $0x38;
	[tilespmem:$0x10700] =	vst v63  }
0x10b: {  	s19 =	sadd.s32 $0x1E8500, s17;
	s20 =	simm.s32 $0xD900  }
0x10c: {  	[tilespmem:s20], [sflag:$0x4] =	stream.linear.gather [hbm4b:s19+s3], $0x400, $0x38;
	[tilespmem:$0x10700] =	vst v63  }
0x10d: {  	s17 =	sadd.s32 $0x2DC780, s17;
	s20 =	simm.s32 $0xE100  }
0x10e: {  	[tilespmem:s20], [sflag:$0x4] =	stream.linear.gather [hbm4b:s17+s3], $0x400, $0x38;
	[tilespmem:$0x10700] =	vst v63  }
0x10f: {  	s17 =	spop (v2sf);
	s20 =	simm.s32 $0xE900  }
0x110: {  	[tilespmem:s20], [sflag:$0x4] =	stream.linear.gather [hbm4b:s17+s3], $0x400, $0x38;
	[tilespmem:$0x10700] =	vst v63  }
0x111: {  	s19 =	sadd.s32 $0xF4280, s17;
	s20 =	simm.s32 $0xF100  }
0x112: {  	[tilespmem:s20], [sflag:$0x4] =	stream.linear.gather [hbm4b:s19+s3], $0x400, $0x38;
	[tilespmem:$0x10700] =	vst v63  }
0x113: {  	s19 =	sadd.s32 $0x1E8500, s17;
	s20 =	simm.s32 $0xF900  }
0x114: {  	[tilespmem:s20], [sflag:$0x4] =	stream.linear.gather [hbm4b:s19+s3], $0x400, $0x38;
	[tilespmem:$0x10700] =	vst v63  }
0x115: {  	s17 =	sadd.s32 $0x2DC780, s17;
	s20 =	simm.s32 $0x10100  }
0x116: {  	[tilespmem:s20], [sflag:$0x4] =	stream.linear.gather [hbm4b:s17+s3], $0x400, $0x38;
	[tilespmem:$0x10700] =	vst v63  }
.LBB2_6:
0x117: {  	_ =	swait.ge [sflag:s5], $0x2000  }
0x118: {  	[sflag:s5] =	ssyncset.done $0x0  }
0x119: {  	[sflag:s5] =	ssyncadd.s32 $0xFFFFE000  }
0x11a: {  	s17 =	sadd.s32 $0xFFFFFFF4, s13;
	_ =	swait.ge [sflag:s5], $0x2000  }
0x11b: {  	s19 =	sand.u32 $0x7E, s15;
	s17 =	sand.u32 $0x300, s17;
	[sflag:s5] =	ssyncset.done $0x0  }
0x11c: {  	s17 =	sor.u32 s19, s17;
	[sflag:s5] =	ssyncadd.s32 $0xFFFFE000  }
0x11d: {  	v5 =	vld [tilespmem:s17+$0x0];
	_ =	sdelay $0x1  }
0x11e: {  	v6 =	vld [tilespmem:s17+$0x80];
	_ =	sdelay $0x2  }
0x11f: {  	v5 =	vand.u32 $0x7F, v5  }
0x120: {  	v7 =	vbroadcast v5, $0x0  }
0x121: {  	v6 =	vand.u32 $0x7F, v6  }
0x122: {  	v8 =	vbroadcast v6, $0x0;
	v9 =	vor.u32 v0, v7  }
0x123: {  	v7 =	vor.u32 v1, v7  }
0x124: {  	v5 =	vbroadcast v5, $0x1;
	v10 =	vor.u32 v0, v8  }
0x125: {  	v8 =	vor.u32 v1, v8  }
0x126: {  	v6 =	vbroadcast v6, $0x1;
	v11 =	vor.u32 v3, v5  }
0x127: {  	v5 =	vor.u32 v4, v5;
	v9 =	vld.idx.msk [tilespmem:v9+s8+$0x0], $0xffff  }
0x128: {  	v12 =	vor.u32 v3, v6;
	v7 =	vld.idx.msk [tilespmem:v7+s8+$0x0], $0xffff  }
0x129: {  	v6 =	vor.u32 v4, v6;
	v10 =	vld.idx.msk [tilespmem:v10+s12+$0x0], $0xffff  }
0x12a: {  	v8 =	vld.idx.msk [tilespmem:v8+s12+$0x0], $0xffff  }
0x12b: {  	v11 =	vld.idx.msk [tilespmem:v11+s8+$0x0], $0xffff  }
0x12c: {  	v5 =	vld.idx.msk [tilespmem:v5+s8+$0x0], $0xffff  }
0x12d: {  	v12 =	vld.idx.msk [tilespmem:v12+s12+$0x0], $0xffff  }
0x12e: {  	v6 =	vld.idx.msk [tilespmem:v6+s12+$0x0], $0xffff;
	_ =	sdelay $0x3  }
0x12f: {  	v9 =	vmul.f32 v10, v9;
	v7 =	vmul.f32 v8, v7  }
0x130: {  	v62 =	vmul.f32 v12, v11;
	v5 =	vmul.f32 v6, v5  }
0x131: {  	v6 =	vadd.f32 v7, v9  }
0x132: {  	v5 =	vadd.f32 v5, v62  }
0x133: {  	(xrf2) =	vadd.scan.msk.f32 $0xffff, v6  }
0x134: {  	(xrf2) =	vadd.scan.msk.f32 $0xffff, v5;
	_ =	sdelay $0x5  }
0x135: {  	s17 =	sand.u32 $0x1F0, s15  }
0x136: {  	v5 =	vld [tilespmem:s17+$0x10500]  }
0x137: {  	s19 =	sand.u32 $0x7, s16  }
0x138: {  	s20 =	sshll.u32 s19, $0x1;
	v6, _, _ =	vpop (xrf2)  }
0x139: {  	v7 =	vmov s20;
	s20 =	sshllo.u32 s19, $0x1;
	v6 =	vbroadcast v6, $0xF;
	v63, _, _ =	vpop (xrf2)  }
0x13a: {  	vm0 =	veq.s32 v7, v2;
	v7 =	vmov s20;
	v8 =	vbroadcast v63, $0xF  }
0x13b: {  	vm15 =	veq.s32 v7, v2;
	v5 =	vsel vm0, v6, v5  }
0x13c: {  	p0 =	sne.s32 s19, $0x7;
	v5 =	vsel vm15, v8, v5  }
0x13d: {  	v6 =	vsub.f32 @!p0 $0.0e+00, v5;
	_ =	sdelay $0x1  }
0x13e: {  	v6 =	vmul.f32 @!p0 $1.442695020e+00, v6;
	_ =	sdelay $0x1  }
0x13f: {  	(erf) = vpow2.f32 @!p0 v6;
	_ =	sdelay $0x8  }
0x140: {  	v6 =	vpop @!p0 (erf)  }
0x141: {  	v6 =	vadd.f32 @!p0 $1.000000000e+00, v6;
	_ =	sdelay $0x1  }
0x142: {  	(erf) = vrcp.f32 @!p0 v6;
	_ =	sdelay $0x6  }
.Ltmp7:
0x143: {  	_ = 	snop;
	(pc) =	sbr.rel .LBB2_17-.Ltmp7, $4  }
0x144: {  	_ = 	snop  }
0x145: {  	v6 =	vpop @!p0 (erf)  }
0x146: {  	v5 =	vpsel p0, v5, v6  }
0x147: {  	[tilespmem:s17+$0x10500] =	vst v5  }
.LBB2_13:
0x148: {  	p1 =	seq.s32 s17, $0x2  }
.Ltmp8:
0x149: {  	_ = 	snop;
	(pc) =	sbr.rel @!p1 .LBB2_14-.Ltmp8, $2  }
0x14a: {  	_ =	sdelay $0x2  }
0x14b: {  	p0 =	sgt.u32 s16, $0xFC  }
.Ltmp9:
0x14c: {  	(pc) =	sbr.rel @p0 .LBB2_12-.Ltmp9, $1  }
0x14d: {  	_ =	sdelay $0x3  }
0x14e: {  	s17 =	sadd.s32 $0x6, s15  }
0x14f: {  	s19 =	sand.u32 $0x700, s13;
	s17 =	sand.u32 $0x7E, s17  }
0x150: {  	s17 =	sor.u32 s17, s19  }
0x151: {  	v5 =	vld [tilespmem:s17+$0x0];
	_ =	sdelay $0x4  }
0x152: {  	v5 =	vshrl.u32 v5, $0x7  }
0x153: {  	v5 =	vmin.u32 v5, $0x1E84  }
0x154: {  	v5 =	vshll.u32 v5, $0x7  }
0x155: {  	v6 =	vld [tilespmem:s17+$0x80];
	v5 =	vadd.s32 s1, v5  }
0x156: {  	(v2sf) =	vpush v5, $0x0;
	_ =	sdelay $0x3  }
0x157: {  	v6 =	vshrl.u32 v6, $0x7  }
0x158: {  	v6 =	vmin.u32 v6, $0x1E84  }
0x159: {  	v6 =	vshll.u32 v6, $0x7  }
0x15a: {  	v6 =	vadd.s32 s1, v6  }
0x15b: {  	(v2sf) =	vpush v6, $0x0;
	_ =	sdelay $0x6  }
0x15c: {  	s17 =	spop (v2sf)  }
0x15d: {  	(v2sf) =	vpush v5, $0x1;
	[tilespmem:s24], [sflag:$0x2] =	stream.linear.gather [hbm4b:s17+s3], $0x400, $0x38;
	[tilespmem:$0x10700] =	vst v63  }
0x15e: {  	s20 =	simm.s32 $0x4D00;
	s19 =	sadd.s32 $0xF4280, s17  }
0x15f: {  	[tilespmem:s20], [sflag:$0x2] =	stream.linear.gather [hbm4b:s19+s3], $0x400, $0x38;
	[tilespmem:$0x10700] =	vst v63  }
0x160: {  	s19 =	sadd.s32 $0x1E8500, s17;
	s20 =	simm.s32 $0x5500  }
0x161: {  	[tilespmem:s20], [sflag:$0x2] =	stream.linear.gather [hbm4b:s19+s3], $0x400, $0x38;
	[tilespmem:$0x10700] =	vst v63  }
0x162: {  	s17 =	sadd.s32 $0x2DC780, s17;
	s20 =	simm.s32 $0x5D00  }
0x163: {  	[tilespmem:s20], [sflag:$0x2] =	stream.linear.gather [hbm4b:s17+s3], $0x400, $0x38;
	[tilespmem:$0x10700] =	vst v63  }
0x164: {  	s17 =	spop (v2sf)  }
0x165: {  	(v2sf) =	vpush v6, $0x1;
	[tilespmem:s29], [sflag:$0x2] =	stream.linear.gather [hbm4b:s17+s3], $0x400, $0x38;
	[tilespmem:$0x10700] =	vst v63  }
0x166: {  	s20 =	simm.s32 $0x6D00;
	s19 =	sadd.s32 $0xF4280, s17  }
0x167: {  	[tilespmem:s20], [sflag:$0x2] =	stream.linear.gather [hbm4b:s19+s3], $0x400, $0x38;
	[tilespmem:$0x10700] =	vst v63  }
0x168: {  	s19 =	sadd.s32 $0x1E8500, s17;
	s20 =	simm.s32 $0x7500  }
0x169: {  	[tilespmem:s20], [sflag:$0x2] =	stream.linear.gather [hbm4b:s19+s3], $0x400, $0x38;
	[tilespmem:$0x10700] =	vst v63  }
0x16a: {  	s17 =	sadd.s32 $0x2DC780, s17;
	s20 =	simm.s32 $0x7D00  }
0x16b: {  	[tilespmem:s20], [sflag:$0x2] =	stream.linear.gather [hbm4b:s17+s3], $0x400, $0x38;
	[tilespmem:$0x10700] =	vst v63  }
0x16c: {  	s17 =	spop (v2sf);
	s20 =	simm.s32 $0x4900  }
0x16d: {  	[tilespmem:s20], [sflag:$0x2] =	stream.linear.gather [hbm4b:s17+s3], $0x400, $0x38;
	[tilespmem:$0x10700] =	vst v63  }
0x16e: {  	s19 =	sadd.s32 $0xF4280, s17;
	s20 =	simm.s32 $0x5100  }
0x16f: {  	[tilespmem:s20], [sflag:$0x2] =	stream.linear.gather [hbm4b:s19+s3], $0x400, $0x38;
	[tilespmem:$0x10700] =	vst v63  }
0x170: {  	s19 =	sadd.s32 $0x1E8500, s17;
	s20 =	simm.s32 $0x5900  }
0x171: {  	[tilespmem:s20], [sflag:$0x2] =	stream.linear.gather [hbm4b:s19+s3], $0x400, $0x38;
	[tilespmem:$0x10700] =	vst v63  }
0x172: {  	s17 =	sadd.s32 $0x2DC780, s17;
	s20 =	simm.s32 $0x6100  }
0x173: {  	[tilespmem:s20], [sflag:$0x2] =	stream.linear.gather [hbm4b:s17+s3], $0x400, $0x38;
	[tilespmem:$0x10700] =	vst v63  }
0x174: {  	s17 =	spop (v2sf);
	s20 =	simm.s32 $0x6900  }
0x175: {  	[tilespmem:s20], [sflag:$0x2] =	stream.linear.gather [hbm4b:s17+s3], $0x400, $0x38;
	[tilespmem:$0x10700] =	vst v63  }
0x176: {  	s19 =	sadd.s32 $0xF4280, s17;
	s20 =	simm.s32 $0x7100  }
0x177: {  	[tilespmem:s20], [sflag:$0x2] =	stream.linear.gather [hbm4b:s19+s3], $0x400, $0x38;
	[tilespmem:$0x10700] =	vst v63  }
0x178: {  	s19 =	sadd.s32 $0x1E8500, s17;
	s20 =	simm.s32 $0x7900  }
0x179: {  	[tilespmem:s20], [sflag:$0x2] =	stream.linear.gather [hbm4b:s19+s3], $0x400, $0x38;
	[tilespmem:$0x10700] =	vst v63  }
0x17a: {  	s17 =	sadd.s32 $0x2DC780, s17;
	s20 =	simm.s32 $0x8100  }
0x17b: {  	[tilespmem:s20], [sflag:$0x2] =	stream.linear.gather [hbm4b:s17+s3], $0x400, $0x38;
	[tilespmem:$0x10700] =	vst v63  }
.LBB2_12:
0x17c: {  	_ =	swait.ge [sflag:s9], $0x2000  }
0x17d: {  	[sflag:s9] =	ssyncset.done $0x0  }
0x17e: {  	[sflag:s9] =	ssyncadd.s32 $0xFFFFE000  }
0x17f: {  	s17 =	sadd.s32 $0xFFFFFFF4, s13;
	_ =	swait.ge [sflag:s9], $0x2000  }
0x180: {  	s19 =	sand.u32 $0x7E, s15;
	s17 =	sand.u32 $0x300, s17;
	[sflag:s9] =	ssyncset.done $0x0  }
0x181: {  	s17 =	sor.u32 s19, s17;
	[sflag:s9] =	ssyncadd.s32 $0xFFFFE000  }
0x182: {  	v5 =	vld [tilespmem:s17+$0x0];
	_ =	sdelay $0x1  }
0x183: {  	v6 =	vld [tilespmem:s17+$0x80];
	_ =	sdelay $0x2  }
0x184: {  	v5 =	vand.u32 $0x7F, v5  }
0x185: {  	v7 =	vbroadcast v5, $0x0  }
0x186: {  	v6 =	vand.u32 $0x7F, v6  }
0x187: {  	v8 =	vbroadcast v6, $0x0;
	v9 =	vor.u32 v0, v7  }
0x188: {  	v7 =	vor.u32 v1, v7  }
0x189: {  	v5 =	vbroadcast v5, $0x1;
	v10 =	vor.u32 v0, v8  }
0x18a: {  	v8 =	vor.u32 v1, v8  }
0x18b: {  	v6 =	vbroadcast v6, $0x1;
	v11 =	vor.u32 v3, v5  }
0x18c: {  	v5 =	vor.u32 v4, v5;
	v9 =	vld.idx.msk [tilespmem:v9+s14+$0x0], $0xffff  }
0x18d: {  	v12 =	vor.u32 v3, v6;
	v7 =	vld.idx.msk [tilespmem:v7+s14+$0x0], $0xffff  }
0x18e: {  	v6 =	vor.u32 v4, v6;
	v10 =	vld.idx.msk [tilespmem:v10+s18+$0x0], $0xffff  }
0x18f: {  	v8 =	vld.idx.msk [tilespmem:v8+s18+$0x0], $0xffff  }
0x190: {  	v11 =	vld.idx.msk [tilespmem:v11+s14+$0x0], $0xffff  }
0x191: {  	v5 =	vld.idx.msk [tilespmem:v5+s14+$0x0], $0xffff  }
0x192: {  	v12 =	vld.idx.msk [tilespmem:v12+s18+$0x0], $0xffff  }
0x193: {  	v6 =	vld.idx.msk [tilespmem:v6+s18+$0x0], $0xffff;
	_ =	sdelay $0x3  }
0x194: {  	v9 =	vmul.f32 v10, v9;
	v7 =	vmul.f32 v8, v7  }
0x195: {  	v62 =	vmul.f32 v12, v11;
	v5 =	vmul.f32 v6, v5  }
0x196: {  	v6 =	vadd.f32 v7, v9  }
0x197: {  	v5 =	vadd.f32 v5, v62  }
0x198: {  	(xrf2) =	vadd.scan.msk.f32 $0xffff, v6  }
0x199: {  	(xrf2) =	vadd.scan.msk.f32 $0xffff, v5;
	_ =	sdelay $0x5  }
0x19a: {  	s17 =	sand.u32 $0x1F0, s15  }
0x19b: {  	v5 =	vld [tilespmem:s17+$0x10500]  }
0x19c: {  	s19 =	sand.u32 $0x7, s16  }
0x19d: {  	s20 =	sshll.u32 s19, $0x1;
	v6, _, _ =	vpop (xrf2)  }
0x19e: {  	v7 =	vmov s20;
	s20 =	sshllo.u32 s19, $0x1;
	v6 =	vbroadcast v6, $0xF;
	v63, _, _ =	vpop (xrf2)  }
0x19f: {  	vm0 =	veq.s32 v7, v2;
	v7 =	vmov s20;
	v8 =	vbroadcast v63, $0xF  }
0x1a0: {  	vm15 =	veq.s32 v7, v2;
	v5 =	vsel vm0, v6, v5  }
0x1a1: {  	p0 =	sne.s32 s19, $0x7;
	v5 =	vsel vm15, v8, v5  }
0x1a2: {  	v6 =	vsub.f32 @!p0 $0.0e+00, v5;
	_ =	sdelay $0x1  }
0x1a3: {  	v6 =	vmul.f32 @!p0 $1.442695020e+00, v6;
	_ =	sdelay $0x1  }
0x1a4: {  	(erf) = vpow2.f32 @!p0 v6;
	_ =	sdelay $0x8  }
0x1a5: {  	v6 =	vpop @!p0 (erf)  }
0x1a6: {  	v6 =	vadd.f32 @!p0 $1.000000000e+00, v6;
	_ =	sdelay $0x1  }
0x1a7: {  	(erf) = vrcp.f32 @!p0 v6;
	_ =	sdelay $0x6  }
.Ltmp10:
0x1a8: {  	_ = 	snop;
	(pc) =	sbr.rel .LBB2_17-.Ltmp10, $4  }
0x1a9: {  	_ = 	snop  }
0x1aa: {  	v6 =	vpop @!p0 (erf)  }
0x1ab: {  	v5 =	vpsel p0, v5, v6  }
0x1ac: {  	[tilespmem:s17+$0x10500] =	vst v5  }
.LBB2_7:
0x1ad: {  	p0 =	sgt.u32 s16, $0xFC  }
.Ltmp11:
0x1ae: {  	_ = 	snop;
	(pc) =	sbr.rel @p0 .LBB2_9-.Ltmp11, $1  }
0x1af: {  	_ =	sdelay $0x3  }
0x1b0: {  	s17 =	sadd.s32 $0x6, s15  }
0x1b1: {  	s19 =	sand.u32 $0x700, s13;
	s17 =	sand.u32 $0x7E, s17  }
0x1b2: {  	s17 =	sor.u32 s17, s19  }
0x1b3: {  	v5 =	vld [tilespmem:s17+$0x0];
	_ =	sdelay $0x4  }
0x1b4: {  	v5 =	vshrl.u32 v5, $0x7  }
0x1b5: {  	v5 =	vmin.u32 v5, $0x1E84  }
0x1b6: {  	v5 =	vshll.u32 v5, $0x7  }
0x1b7: {  	v6 =	vld [tilespmem:s17+$0x80];
	v5 =	vadd.s32 s1, v5  }
0x1b8: {  	(v2sf) =	vpush v5, $0x0;
	_ =	sdelay $0x3  }
0x1b9: {  	v6 =	vshrl.u32 v6, $0x7  }
0x1ba: {  	v6 =	vmin.u32 v6, $0x1E84  }
0x1bb: {  	v6 =	vshll.u32 v6, $0x7  }
0x1bc: {  	v6 =	vadd.s32 s1, v6  }
0x1bd: {  	(v2sf) =	vpush v6, $0x0;
	_ =	sdelay $0x6  }
0x1be: {  	s17 =	spop (v2sf)  }
0x1bf: {  	(v2sf) =	vpush v5, $0x1;
	[tilespmem:s8], [sflag:$0x1] =	stream.linear.gather [hbm4b:s17+s3], $0x400, $0x38;
	[tilespmem:$0x10700] =	vst v63  }
0x1c0: {  	s20 =	simm.s32 $0xD00;
	s19 =	sadd.s32 $0xF4280, s17  }
0x1c1: {  	[tilespmem:s20], [sflag:$0x1] =	stream.linear.gather [hbm4b:s19+s3], $0x400, $0x38;
	[tilespmem:$0x10700] =	vst v63  }
0x1c2: {  	s19 =	sadd.s32 $0x1E8500, s17;
	s20 =	simm.s32 $0x1500  }
0x1c3: {  	[tilespmem:s20], [sflag:$0x1] =	stream.linear.gather [hbm4b:s19+s3], $0x400, $0x38;
	[tilespmem:$0x10700] =	vst v63  }
0x1c4: {  	s17 =	sadd.s32 $0x2DC780, s17;
	s20 =	simm.s32 $0x1D00  }
0x1c5: {  	[tilespmem:s20], [sflag:$0x1] =	stream.linear.gather [hbm4b:s17+s3], $0x400, $0x38;
	[tilespmem:$0x10700] =	vst v63  }
0x1c6: {  	s17 =	spop (v2sf)  }
0x1c7: {  	(v2sf) =	vpush v6, $0x1;
	[tilespmem:s12], [sflag:$0x1] =	stream.linear.gather [hbm4b:s17+s3], $0x400, $0x38;
	[tilespmem:$0x10700] =	vst v63  }
0x1c8: {  	s20 =	simm.s32 $0x2D00;
	s19 =	sadd.s32 $0xF4280, s17  }
0x1c9: {  	[tilespmem:s20], [sflag:$0x1] =	stream.linear.gather [hbm4b:s19+s3], $0x400, $0x38;
	[tilespmem:$0x10700] =	vst v63  }
0x1ca: {  	s19 =	sadd.s32 $0x1E8500, s17;
	s20 =	simm.s32 $0x3500  }
0x1cb: {  	[tilespmem:s20], [sflag:$0x1] =	stream.linear.gather [hbm4b:s19+s3], $0x400, $0x38;
	[tilespmem:$0x10700] =	vst v63  }
0x1cc: {  	s17 =	sadd.s32 $0x2DC780, s17;
	s20 =	simm.s32 $0x3D00  }
0x1cd: {  	[tilespmem:s20], [sflag:$0x1] =	stream.linear.gather [hbm4b:s17+s3], $0x400, $0x38;
	[tilespmem:$0x10700] =	vst v63  }
0x1ce: {  	s17 =	spop (v2sf);
	s20 =	simm.s32 $0x900  }
0x1cf: {  	[tilespmem:s20], [sflag:$0x1] =	stream.linear.gather [hbm4b:s17+s3], $0x400, $0x38;
	[tilespmem:$0x10700] =	vst v63  }
0x1d0: {  	s19 =	sadd.s32 $0xF4280, s17;
	s20 =	simm.s32 $0x1100  }
0x1d1: {  	[tilespmem:s20], [sflag:$0x1] =	stream.linear.gather [hbm4b:s19+s3], $0x400, $0x38;
	[tilespmem:$0x10700] =	vst v63  }
0x1d2: {  	s19 =	sadd.s32 $0x1E8500, s17;
	s20 =	simm.s32 $0x1900  }
0x1d3: {  	[tilespmem:s20], [sflag:$0x1] =	stream.linear.gather [hbm4b:s19+s3], $0x400, $0x38;
	[tilespmem:$0x10700] =	vst v63  }
0x1d4: {  	s17 =	sadd.s32 $0x2DC780, s17;
	s20 =	simm.s32 $0x2100  }
0x1d5: {  	[tilespmem:s20], [sflag:$0x1] =	stream.linear.gather [hbm4b:s17+s3], $0x400, $0x38;
	[tilespmem:$0x10700] =	vst v63  }
0x1d6: {  	s17 =	spop (v2sf);
	s20 =	simm.s32 $0x2900  }
0x1d7: {  	[tilespmem:s20], [sflag:$0x1] =	stream.linear.gather [hbm4b:s17+s3], $0x400, $0x38;
	[tilespmem:$0x10700] =	vst v63  }
0x1d8: {  	s19 =	sadd.s32 $0xF4280, s17;
	s20 =	simm.s32 $0x3100  }
0x1d9: {  	[tilespmem:s20], [sflag:$0x1] =	stream.linear.gather [hbm4b:s19+s3], $0x400, $0x38;
	[tilespmem:$0x10700] =	vst v63  }
0x1da: {  	s19 =	sadd.s32 $0x1E8500, s17;
	s20 =	simm.s32 $0x3900  }
0x1db: {  	[tilespmem:s20], [sflag:$0x1] =	stream.linear.gather [hbm4b:s19+s3], $0x400, $0x38;
	[tilespmem:$0x10700] =	vst v63  }
0x1dc: {  	s17 =	sadd.s32 $0x2DC780, s17;
	s20 =	simm.s32 $0x4100  }
0x1dd: {  	[tilespmem:s20], [sflag:$0x1] =	stream.linear.gather [hbm4b:s17+s3], $0x400, $0x38;
	[tilespmem:$0x10700] =	vst v63  }
.LBB2_9:
0x1de: {  	_ =	swait.ge [sflag:s6], $0x2000  }
0x1df: {  	[sflag:s6] =	ssyncset.done $0x0  }
0x1e0: {  	[sflag:s6] =	ssyncadd.s32 $0xFFFFE000  }
0x1e1: {  	s17 =	sadd.s32 $0xFFFFFFF4, s13;
	_ =	swait.ge [sflag:s6], $0x2000  }
0x1e2: {  	s19 =	sand.u32 $0x7E, s15;
	s17 =	sand.u32 $0x300, s17;
	[sflag:s6] =	ssyncset.done $0x0  }
0x1e3: {  	s17 =	sor.u32 s19, s17;
	[sflag:s6] =	ssyncadd.s32 $0xFFFFE000  }
0x1e4: {  	v5 =	vld [tilespmem:s17+$0x0];
	_ =	sdelay $0x1  }
0x1e5: {  	v6 =	vld [tilespmem:s17+$0x80];
	_ =	sdelay $0x2  }
0x1e6: {  	v5 =	vand.u32 $0x7F, v5  }
0x1e7: {  	v7 =	vbroadcast v5, $0x0  }
0x1e8: {  	v6 =	vand.u32 $0x7F, v6  }
0x1e9: {  	v8 =	vbroadcast v6, $0x0;
	v9 =	vor.u32 v0, v7  }
0x1ea: {  	v7 =	vor.u32 v1, v7  }
0x1eb: {  	v5 =	vbroadcast v5, $0x1;
	v10 =	vor.u32 v0, v8  }
0x1ec: {  	v8 =	vor.u32 v1, v8  }
0x1ed: {  	v6 =	vbroadcast v6, $0x1;
	v11 =	vor.u32 v3, v5  }
0x1ee: {  	v5 =	vor.u32 v4, v5;
	v9 =	vld.idx.msk [tilespmem:v9+s24+$0x0], $0xffff  }
0x1ef: {  	v12 =	vor.u32 v3, v6;
	v7 =	vld.idx.msk [tilespmem:v7+s24+$0x0], $0xffff  }
0x1f0: {  	v6 =	vor.u32 v4, v6;
	v10 =	vld.idx.msk [tilespmem:v10+s29+$0x0], $0xffff  }
0x1f1: {  	v8 =	vld.idx.msk [tilespmem:v8+s29+$0x0], $0xffff  }
0x1f2: {  	v11 =	vld.idx.msk [tilespmem:v11+s24+$0x0], $0xffff  }
0x1f3: {  	v5 =	vld.idx.msk [tilespmem:v5+s24+$0x0], $0xffff  }
0x1f4: {  	v12 =	vld.idx.msk [tilespmem:v12+s29+$0x0], $0xffff  }
0x1f5: {  	v6 =	vld.idx.msk [tilespmem:v6+s29+$0x0], $0xffff;
	_ =	sdelay $0x3  }
0x1f6: {  	v9 =	vmul.f32 v10, v9;
	v7 =	vmul.f32 v8, v7  }
0x1f7: {  	v62 =	vmul.f32 v12, v11;
	v5 =	vmul.f32 v6, v5  }
0x1f8: {  	v6 =	vadd.f32 v7, v9  }
0x1f9: {  	v5 =	vadd.f32 v5, v62  }
0x1fa: {  	(xrf2) =	vadd.scan.msk.f32 $0xffff, v6  }
0x1fb: {  	(xrf2) =	vadd.scan.msk.f32 $0xffff, v5;
	_ =	sdelay $0x5  }
0x1fc: {  	s17 =	sand.u32 $0x1F0, s15  }
0x1fd: {  	v5 =	vld [tilespmem:s17+$0x10500]  }
0x1fe: {  	s19 =	sand.u32 $0x7, s16  }
0x1ff: {  	s20 =	sshll.u32 s19, $0x1;
	v6, _, _ =	vpop (xrf2)  }
0x200: {  	v7 =	vmov s20;
	s20 =	sshllo.u32 s19, $0x1;
	v6 =	vbroadcast v6, $0xF;
	v63, _, _ =	vpop (xrf2)  }
0x201: {  	vm0 =	veq.s32 v7, v2;
	v7 =	vmov s20;
	v8 =	vbroadcast v63, $0xF  }
0x202: {  	vm15 =	veq.s32 v7, v2;
	v5 =	vsel vm0, v6, v5  }
0x203: {  	p0 =	sne.s32 s19, $0x7;
	v5 =	vsel vm15, v8, v5  }
0x204: {  	v6 =	vsub.f32 @!p0 $0.0e+00, v5;
	_ =	sdelay $0x1  }
0x205: {  	v6 =	vmul.f32 @!p0 $1.442695020e+00, v6;
	_ =	sdelay $0x1  }
0x206: {  	(erf) = vpow2.f32 @!p0 v6;
	_ =	sdelay $0x8  }
0x207: {  	v6 =	vpop @!p0 (erf)  }
0x208: {  	v6 =	vadd.f32 @!p0 $1.000000000e+00, v6;
	_ =	sdelay $0x1  }
0x209: {  	(erf) = vrcp.f32 @!p0 v6;
	_ =	sdelay $0x6  }
.Ltmp12:
0x20a: {  	_ = 	snop;
	(pc) =	sbr.rel .LBB2_17-.Ltmp12, $4  }
0x20b: {  	_ = 	snop  }
0x20c: {  	v6 =	vpop @!p0 (erf)  }
0x20d: {  	v5 =	vpsel p0, v5, v6  }
0x20e: {  	[tilespmem:s17+$0x10500] =	vst v5  }
.LBB2_14:
.Ltmp13:
0x20f: {  	(pc) =	sbr.rel @p0 .LBB2_16-.Ltmp13, $1  }
0x210: {  	_ =	sdelay $0x3  }
0x211: {  	s17 =	sadd.s32 $0x6, s15  }
0x212: {  	s19 =	sand.u32 $0x700, s13;
	s17 =	sand.u32 $0x7E, s17  }
0x213: {  	s17 =	sor.u32 s17, s19  }
0x214: {  	v5 =	vld [tilespmem:s17+$0x0];
	_ =	sdelay $0x4  }
0x215: {  	v5 =	vshrl.u32 v5, $0x7  }
0x216: {  	v5 =	vmin.u32 v5, $0x1E84  }
0x217: {  	v5 =	vshll.u32 v5, $0x7  }
0x218: {  	v6 =	vld [tilespmem:s17+$0x80];
	v5 =	vadd.s32 s1, v5  }
0x219: {  	(v2sf) =	vpush v5, $0x0;
	_ =	sdelay $0x3  }
0x21a: {  	v6 =	vshrl.u32 v6, $0x7  }
0x21b: {  	v6 =	vmin.u32 v6, $0x1E84  }
0x21c: {  	v6 =	vshll.u32 v6, $0x7  }
0x21d: {  	v6 =	vadd.s32 s1, v6  }
0x21e: {  	(v2sf) =	vpush v6, $0x0;
	_ =	sdelay $0x6  }
0x21f: {  	s17 =	spop (v2sf)  }
0x220: {  	(v2sf) =	vpush v5, $0x1;
	[tilespmem:s14], [sflag:$0x3] =	stream.linear.gather [hbm4b:s17+s3], $0x400, $0x38;
	[tilespmem:$0x10700] =	vst v63  }
0x221: {  	s20 =	simm.s32 $0x8D00;
	s19 =	sadd.s32 $0xF4280, s17  }
0x222: {  	[tilespmem:s20], [sflag:$0x3] =	stream.linear.gather [hbm4b:s19+s3], $0x400, $0x38;
	[tilespmem:$0x10700] =	vst v63  }
0x223: {  	s19 =	sadd.s32 $0x1E8500, s17;
	s20 =	simm.s32 $0x9500  }
0x224: {  	[tilespmem:s20], [sflag:$0x3] =	stream.linear.gather [hbm4b:s19+s3], $0x400, $0x38;
	[tilespmem:$0x10700] =	vst v63  }
0x225: {  	s17 =	sadd.s32 $0x2DC780, s17;
	s20 =	simm.s32 $0x9D00  }
0x226: {  	[tilespmem:s20], [sflag:$0x3] =	stream.linear.gather [hbm4b:s17+s3], $0x400, $0x38;
	[tilespmem:$0x10700] =	vst v63  }
0x227: {  	s17 =	spop (v2sf)  }
0x228: {  	(v2sf) =	vpush v6, $0x1;
	[tilespmem:s18], [sflag:$0x3] =	stream.linear.gather [hbm4b:s17+s3], $0x400, $0x38;
	[tilespmem:$0x10700] =	vst v63  }
0x229: {  	s20 =	simm.s32 $0xAD00;
	s19 =	sadd.s32 $0xF4280, s17  }
0x22a: {  	[tilespmem:s20], [sflag:$0x3] =	stream.linear.gather [hbm4b:s19+s3], $0x400, $0x38;
	[tilespmem:$0x10700] =	vst v63  }
0x22b: {  	s19 =	sadd.s32 $0x1E8500, s17;
	s20 =	simm.s32 $0xB500  }
0x22c: {  	[tilespmem:s20], [sflag:$0x3] =	stream.linear.gather [hbm4b:s19+s3], $0x400, $0x38;
	[tilespmem:$0x10700] =	vst v63  }
0x22d: {  	s17 =	sadd.s32 $0x2DC780, s17  }
0x22e: {  	[tilespmem:s21], [sflag:$0x3] =	stream.linear.gather [hbm4b:s17+s3], $0x400, $0x38;
	[tilespmem:$0x10700] =	vst v63  }
0x22f: {  	s17 =	spop (v2sf)  }
0x230: {  	[tilespmem:s22], [sflag:$0x3] =	stream.linear.gather [hbm4b:s17+s3], $0x400, $0x38;
	[tilespmem:$0x10700] =	vst v63  }
0x231: {  	s20 =	sadd.s32 $0xF4280, s17  }
0x232: {  	[tilespmem:s23], [sflag:$0x3] =	stream.linear.gather [hbm4b:s20+s3], $0x400, $0x38;
	[tilespmem:$0x10700] =	vst v63  }
0x233: {  	s20 =	sadd.s32 $0x1E8500, s17  }
0x234: {  	[tilespmem:s25], [sflag:$0x3] =	stream.linear.gather [hbm4b:s20+s3], $0x400, $0x38;
	[tilespmem:$0x10700] =	vst v63  }
0x235: {  	s17 =	sadd.s32 $0x2DC780, s17  }
0x236: {  	[tilespmem:s26], [sflag:$0x3] =	stream.linear.gather [hbm4b:s17+s3], $0x400, $0x38;
	[tilespmem:$0x10700] =	vst v63  }
0x237: {  	s17 =	spop (v2sf)  }
0x238: {  	[tilespmem:s28], [sflag:$0x3] =	stream.linear.gather [hbm4b:s17+s3], $0x400, $0x38;
	[tilespmem:$0x10700] =	vst v63  }
0x239: {  	s20 =	sadd.s32 $0xF4280, s17  }
0x23a: {  	[tilespmem:s30], [sflag:$0x3] =	stream.linear.gather [hbm4b:s20+s3], $0x400, $0x38;
	[tilespmem:$0x10700] =	vst v63  }
.Ltmp14:
0x23b: {  	_ = 	snop;
	(pc) =	sbr.rel .LBB2_16-.Ltmp14, $4  }
0x23c: {  	s20 =	sadd.s32 $0x1E8500, s17  }
0x23d: {  	[tilespmem:s31], [sflag:$0x3] =	stream.linear.gather [hbm4b:s20+s3], $0x400, $0x38;
	[tilespmem:$0x10700] =	vst v63  }
0x23e: {  	s17 =	sadd.s32 $0x2DC780, s17  }
0x23f: {  	[tilespmem:s0], [sflag:$0x3] =	stream.linear.gather [hbm4b:s17+s3], $0x400, $0x38;
	[tilespmem:$0x10700] =	vst v63  }
.LBB2_19:
0x240: {  	_ =	sfence.sel $0x180000  }
0x241: {  	[bflag:$0x0] =	sbarrier.arrive $0xFFFF  }
0x242: {  	_ =	strace $0x90000047  }
0x243: {  	s0 =	stileid.u32;
	[bflag:$0x2] =	sbarrier.arrive $0xFFFF  }
0x244: {  	p0 =	sne.s32 s0, $0x0;
	s0 =	rddreg [dreg:$0x3]  }
0x245: {  	s0 =	sadd.s32 @!p0 $0x100000, s0  }
0x246: {  	[sflag:s0] =	ssyncadd.tile.s32 @!p0 $0x1;
	_ =	shalt  }
.Lfunc_end2:
_tile_overlayer_lowered:
.L_overlay_start_2:
0x247: {  	(tag) =	ssettag $0x2  }
0x248: {  	s0 =	rddreg [dreg:$0x0];
	s2 =	stileid.u32  }
0x249: {  	s1 =	rddreg [dreg:$0x1];
	p0 =	sne.s32 s2, $0x0  }
0x24a: {  	s3 =	rddreg [dreg:$0x2];
	[bflag:$0x3] =	sbarrier.arrive $0xFFFF;
	s2 =	simm.s32 @!p0 $0x1C05  }
0x24b: {  	[timem:s3], [sflag:s2] =	dma.local @!p0 [hbm:s0], s1  }
0x24c: {  	s0 =	simm.s32 @!p0 $0x5  }
0x24d: {  	_ =	swait.ge @!p0 [sflag:s0], s1  }
0x24e: {  	s1 =	ssub.s32 @!p0 $0x0, s1;
	[sflag:s0] =	ssyncset.done @!p0 $0x0  }
0x24f: {  	[sflag:s0] =	ssyncadd.s32 @!p0 s1  }
0x250: {  	[bflag:$0x3] =	sbarrier.arrive $0xFFFF  }
0x251: {  	_ =	shalt  }

</sc_bundles>
